<compile_context>
chip_gen: v7x
topology: tpu7x:2x2x1
jax: 0.10.2.dev20260603
libtpu: 0.0.44.dev20260713+nightly
codegen_flags: <defaults>
</compile_context>

<pallas_src>
import jax
import jax.numpy as jnp
from jax.experimental import pallas as pl
from jax.experimental.pallas import tpu as pltpu
from jax.experimental.pallas import tpu_sc as plsc

_B, _L, _D = 16384, 200, 128
_N = _B * _L
_HOURS = 72
_HSTRIDE = 64
_W = 128
_NROWS = _HOURS * _HSTRIDE
_RPS = _NROWS // 16


def _sc_gather(minute_table, hour_table, x0, x1):
    mesh = plsc.VectorSubcoreMesh(
        core_axis_name="core", subcore_axis_name="subcore"
    )

    @pl.kernel(
        out_type=jax.ShapeDtypeStruct((_N, _D), jnp.float32),
        mesh=mesh,
        scratch_types=[
            pltpu.VMEM((_W,), jnp.int32),
            pltpu.VMEM((_HSTRIDE, _D), jnp.float32),
            pltpu.VMEM((_HOURS, _D), jnp.float32),
            pltpu.VMEM((_RPS, _D), jnp.float32),
            pltpu.VMEM_SHARED((_NROWS, _D), jnp.float32),
        ],
    )
    def k(min_hbm, hour_hbm, x0_hbm, x1_hbm, out_hbm,
          idx_ref, min_v, hour_v, cbuf, combo_sh):
        sid = jax.lax.axis_index("subcore")
        pltpu.sync_copy(min_hbm, min_v.at[pl.ds(0, 60)])
        pltpu.sync_copy(hour_hbm, hour_v)
        base = sid * _RPS

        @pl.loop(0, _RPS)
        def _(r):
            row = base + r
            h = jax.lax.shift_right_logical(row, 6)
            m = jax.lax.bitwise_and(row, _HSTRIDE - 1)
            for i in range(_D // 16):
                s = pl.ds(i * 16, 16)
                cbuf[r, s] = hour_v[h, s] + min_v[m, s]

        sl = pl.ds(base, _RPS)
        pltpu.sync_copy(cbuf, combo_sh.at[sl])
        plsc.subcore_barrier()

        def body(x0_v, x1_v, o_v):
            x0r = x0_v.at[0]
            x1r = x1_v.at[0]
            for i in range(_W // 16):
                s = pl.ds(i * 16, 16)
                idx_ref[s] = x0r[s] * _HSTRIDE + x1r[s]
            pltpu.sync_copy(combo_sh.at[idx_ref], o_v)

        pltpu.emit_pipeline(
            body,
            grid=(_N // _W,),
            in_specs=[
                pl.BlockSpec((1, _W), lambda i: (0, i)),
                pl.BlockSpec((1, _W), lambda i: (0, i)),
            ],
            out_specs=[pl.BlockSpec((_W, _D), lambda i: (i, 0))],
            core_axis_name=("core", "subcore"),
            dimension_semantics=(pltpu.PARALLEL,),
        )(x0_hbm, x1_hbm, out_hbm)

    return k(minute_table, hour_table, x0, x1)


def kernel(x, minute_table, hour_table):
    x = x.astype(jnp.int32)
    x0 = x[:, :, 0].reshape(1, _N)
    x1 = x[:, :, 1].reshape(1, _N)
    out = _sc_gather(minute_table, hour_table, x0, x1)
    return out.reshape(_B, _L, _D)

# --- scband reference (transcript-rebuilt; emitter-appended) ---
"""Pipeline reference for scband-circa-temporal-embedding-17334488006705 (READ-ONLY COPY).

The authoritative reference and input builder live on the scoring server;
editing this copy changes nothing except your own understanding.
"""

import jax, jax.numpy as jnp
import numpy as np

B, L, D = 16384, 200, 128
MINUTE_SIZE, HOUR_SIZE = 60, 72

def setup_inputs(seed: int = 0) -> dict:
    key = jax.random.key(seed)
    k1, k2, k3 = jax.random.split(key, 3)
    x = jax.random.randint(k1, (B, L, 2), 0, 60, dtype=jnp.int64) if jax.config.jax_enable_x64 else jax.random.randint(k1, (B, L, 2), 0, 60, dtype=jnp.int32)
    minute_table = jax.random.normal(k2, (MINUTE_SIZE, D), dtype=jnp.float32)
    hour_table = jax.random.normal(k3, (HOUR_SIZE, D), dtype=jnp.float32)
    return {"x": x, "minute_table": minute_table, "hour_table": hour_table}

def reference(x, minute_table, hour_table):
    x = x.astype(jnp.int32)
    minute_x = jnp.take(minute_table, x[:, :, 1], axis=0)
    hour_x = jnp.take(hour_table, x[:, :, 0], axis=0)
    return hour_x + minute_x

if __name__ == "__main__":
    import jax
    _d = setup_inputs()
    print(jax.jit(kernel)(*tuple(_d.values())))

</pallas_src>

<mosaic_0001>
#map = affine_map<(d0, d1) -> (0, 0)>
module attributes {stable_mosaic.version = 14 : i64} {
  func.func @k(%arg0: i32, %arg1: i32, %arg2: memref<60x128xf32, #tpu.memory_space<hbm>>, %arg3: memref<72x128xf32, #tpu.memory_space<hbm>>, %arg4: memref<1x3276800xi32, #tpu.memory_space<hbm>>, %arg5: memref<1x3276800xi32, #tpu.memory_space<hbm>>, %arg6: memref<3276800x128xf32, #tpu.memory_space<hbm>>, %arg7: memref<128xi32, #tpu.memory_space<vmem>>, %arg8: memref<64x128xf32, #tpu.memory_space<vmem>>, %arg9: memref<72x128xf32, #tpu.memory_space<vmem>>, %arg10: memref<288x128xf32, #tpu.memory_space<vmem>>, %arg11: memref<4608x128xf32, #tpu.memory_space<vmem_shared>>) attributes {dimension_semantics = [#tpu.dimension_semantics<core_parallel>, #tpu.dimension_semantics<subcore_parallel>], iteration_bounds = array<i64: 2, 16>, scalar_prefetch = 0 : i64, scratch_operands = 5 : i64, tpu.core_type = #tpu.core_type<sc_vector_subcore>, window_params = [{transform_indices = #map}, {transform_indices = #map}, {transform_indices = #map}, {transform_indices = #map}, {transform_indices = #map}]} {
    "tpu.region"() ({
      %run_scoped3A = tpu.sem_alloc : memref<!tpu.dma_semaphore, #tpu.memory_space<semaphore_mem>>
      %dma_start3A = arith.constant 0 : i32
      %dma_start3A_13 = arith.constant 0 : i32
      %dma_start3A_14 = tpu.memref_slice %arg8[%dma_start3A, %dma_start3A_13] : memref<64x128xf32, #tpu.memory_space<vmem>> -> memref<60x128xf32, #tpu.memory_space<vmem>>
      %dma_start3A_15 = arith.constant 0 : i32
      %dma_start3A_16 = arith.constant 0 : i32
      %dma_start3A_17 = tpu.memref_slice %arg8[%dma_start3A_15, %dma_start3A_16] : memref<64x128xf32, #tpu.memory_space<vmem>> -> memref<60x128xf32, #tpu.memory_space<vmem>>
      tpu.enqueue_dma source(%arg2 : memref<60x128xf32, #tpu.memory_space<hbm>>) target(%dma_start3A_17 : memref<60x128xf32, #tpu.memory_space<vmem>>) target_semaphore(%run_scoped3A : memref<!tpu.dma_semaphore, #tpu.memory_space<semaphore_mem>>)
      %dma_wait3A = arith.constant 0 : i32
      %dma_wait3A_18 = arith.constant 0 : i32
      %dma_wait3A_19 = tpu.memref_slice %arg8[%dma_wait3A, %dma_wait3A_18] : memref<64x128xf32, #tpu.memory_space<vmem>> -> memref<60x128xf32, #tpu.memory_space<vmem>>
      %dma_wait3A_20 = arith.constant 0 : i32
      %dma_wait3A_21 = arith.constant 0 : i32
      %dma_wait3A_22 = tpu.memref_slice %arg8[%dma_wait3A_20, %dma_wait3A_21] : memref<64x128xf32, #tpu.memory_space<vmem>> -> memref<60x128xf32, #tpu.memory_space<vmem>>
      tpu.wait_dma2 semaphore(%run_scoped3A : memref<!tpu.dma_semaphore, #tpu.memory_space<semaphore_mem>>) src(%arg2 : memref<60x128xf32, #tpu.memory_space<hbm>>) dst(%dma_wait3A_22 : memref<60x128xf32, #tpu.memory_space<vmem>>)
      tpu.yield
    }) : () -> ()
    "tpu.region"() ({
      %run_scoped3A = tpu.sem_alloc : memref<!tpu.dma_semaphore, #tpu.memory_space<semaphore_mem>>
      tpu.enqueue_dma source(%arg3 : memref<72x128xf32, #tpu.memory_space<hbm>>) target(%arg9 : memref<72x128xf32, #tpu.memory_space<vmem>>) target_semaphore(%run_scoped3A : memref<!tpu.dma_semaphore, #tpu.memory_space<semaphore_mem>>)
      tpu.wait_dma2 semaphore(%run_scoped3A : memref<!tpu.dma_semaphore, #tpu.memory_space<semaphore_mem>>) src(%arg3 : memref<72x128xf32, #tpu.memory_space<hbm>>) dst(%arg9 : memref<72x128xf32, #tpu.memory_space<vmem>>)
      tpu.yield
    }) : () -> ()
    %mul3A = arith.constant 288 : i32
    %mul3A_0 = arith.muli %arg1, %mul3A : i32
    %scan3A = arith.constant 0 : i32
    %scan3A_1 = arith.constant 288 : i32
    %scan3A_2 = arith.addi %scan3A, %scan3A_1 : i32
    %scan3A_3 = arith.constant 1 : i32
    scf.for %scan3A_13 = %scan3A to %scan3A_2 step %scan3A_3  : i32 {
      %mul3A_14 = arith.constant 1 : i32
      %mul3A_15 = arith.muli %scan3A_13, %mul3A_14 : i32
      %add3A_16 = arith.constant 0 : i32
      %add3A_17 = arith.addi %add3A_16, %mul3A_15 : i32
      %add3A_18 = arith.addi %mul3A_0, %add3A_17 : i32
      %shift_right_logical3A = arith.constant 6 : i32
      %shift_right_logical3A_19 = arith.shrui %add3A_18, %shift_right_logical3A : i32
      %and3A = arith.constant 63 : i32
      %and3A_20 = arith.andi %add3A_18, %and3A : i32
      %get3A = arith.index_cast %shift_right_logical3A_19 : i32 to index
      %get3A_21 = arith.constant 0 : index
      %get3A_22 = tpu.vector_load %arg9[%get3A, %get3A_21] {strides = array<i32>} : memref<72x128xf32, #tpu.memory_space<vmem>>, vector<1x16xf32>,
      %get3A_23 = vector.shape_cast %get3A_22 : vector<1x16xf32> to vector<16xf32>
      %get3A_24 = arith.index_cast %and3A_20 : i32 to index
      %get3A_25 = arith.constant 0 : index
      %get3A_26 = tpu.vector_load %arg8[%get3A_24, %get3A_25] {strides = array<i32>} : memref<64x128xf32, #tpu.memory_space<vmem>>, vector<1x16xf32>,
      %get3A_27 = vector.shape_cast %get3A_26 : vector<1x16xf32> to vector<16xf32>
      %add3A_28 = arith.addf %get3A_23, %get3A_27 : vector<16xf32>
      %swap3A = arith.index_cast %add3A_17 : i32 to index
      %swap3A_29 = arith.constant 0 : index
      %swap3A_30 = tpu.vector_load %arg10[%swap3A, %swap3A_29] {strides = array<i32>} : memref<288x128xf32, #tpu.memory_space<vmem>>, vector<1x16xf32>,
      %swap3A_31 = vector.shape_cast %swap3A_30 : vector<1x16xf32> to vector<16xf32>
      %swap3A_32 = vector.shape_cast %add3A_28 : vector<16xf32> to vector<1x16xf32>
      tpu.vector_store %arg10[%swap3A, %swap3A_29], %swap3A_32 {strides = array<i32>} : memref<288x128xf32, #tpu.memory_space<vmem>>, vector<1x16xf32>,
      %get3A_33 = arith.index_cast %shift_right_logical3A_19 : i32 to index
      %get3A_34 = arith.constant 16 : index
      %get3A_35 = tpu.vector_load %arg9[%get3A_33, %get3A_34] {strides = array<i32>} : memref<72x128xf32, #tpu.memory_space<vmem>>, vector<1x16xf32>,
      %get3A_36 = vector.shape_cast %get3A_35 : vector<1x16xf32> to vector<16xf32>
      %get3A_37 = arith.index_cast %and3A_20 : i32 to index
      %get3A_38 = arith.constant 16 : index
      %get3A_39 = tpu.vector_load %arg8[%get3A_37, %get3A_38] {strides = array<i32>} : memref<64x128xf32, #tpu.memory_space<vmem>>, vector<1x16xf32>,
      %get3A_40 = vector.shape_cast %get3A_39 : vector<1x16xf32> to vector<16xf32>
      %add3A_41 = arith.addf %get3A_36, %get3A_40 : vector<16xf32>
      %swap3A_42 = arith.index_cast %add3A_17 : i32 to index
      %swap3A_43 = arith.constant 16 : index
      %swap3A_44 = tpu.vector_load %arg10[%swap3A_42, %swap3A_43] {strides = array<i32>} : memref<288x128xf32, #tpu.memory_space<vmem>>, vector<1x16xf32>,
      %swap3A_45 = vector.shape_cast %swap3A_44 : vector<1x16xf32> to vector<16xf32>
      %swap3A_46 = vector.shape_cast %add3A_41 : vector<16xf32> to vector<1x16xf32>
      tpu.vector_store %arg10[%swap3A_42, %swap3A_43], %swap3A_46 {strides = array<i32>} : memref<288x128xf32, #tpu.memory_space<vmem>>, vector<1x16xf32>,
      %get3A_47 = arith.index_cast %shift_right_logical3A_19 : i32 to index
      %get3A_48 = arith.constant 32 : index
      %get3A_49 = tpu.vector_load %arg9[%get3A_47, %get3A_48] {strides = array<i32>} : memref<72x128xf32, #tpu.memory_space<vmem>>, vector<1x16xf32>,
      %get3A_50 = vector.shape_cast %get3A_49 : vector<1x16xf32> to vector<16xf32>
      %get3A_51 = arith.index_cast %and3A_20 : i32 to index
      %get3A_52 = arith.constant 32 : index
      %get3A_53 = tpu.vector_load %arg8[%get3A_51, %get3A_52] {strides = array<i32>} : memref<64x128xf32, #tpu.memory_space<vmem>>, vector<1x16xf32>,
      %get3A_54 = vector.shape_cast %get3A_53 : vector<1x16xf32> to vector<16xf32>
      %add3A_55 = arith.addf %get3A_50, %get3A_54 : vector<16xf32>
      %swap3A_56 = arith.index_cast %add3A_17 : i32 to index
      %swap3A_57 = arith.constant 32 : index
      %swap3A_58 = tpu.vector_load %arg10[%swap3A_56, %swap3A_57] {strides = array<i32>} : memref<288x128xf32, #tpu.memory_space<vmem>>, vector<1x16xf32>,
      %swap3A_59 = vector.shape_cast %swap3A_58 : vector<1x16xf32> to vector<16xf32>
      %swap3A_60 = vector.shape_cast %add3A_55 : vector<16xf32> to vector<1x16xf32>
      tpu.vector_store %arg10[%swap3A_56, %swap3A_57], %swap3A_60 {strides = array<i32>} : memref<288x128xf32, #tpu.memory_space<vmem>>, vector<1x16xf32>,
      %get3A_61 = arith.index_cast %shift_right_logical3A_19 : i32 to index
      %get3A_62 = arith.constant 48 : index
      %get3A_63 = tpu.vector_load %arg9[%get3A_61, %get3A_62] {strides = array<i32>} : memref<72x128xf32, #tpu.memory_space<vmem>>, vector<1x16xf32>,
      %get3A_64 = vector.shape_cast %get3A_63 : vector<1x16xf32> to vector<16xf32>
      %get3A_65 = arith.index_cast %and3A_20 : i32 to index
      %get3A_66 = arith.constant 48 : index
      %get3A_67 = tpu.vector_load %arg8[%get3A_65, %get3A_66] {strides = array<i32>} : memref<64x128xf32, #tpu.memory_space<vmem>>, vector<1x16xf32>,
      %get3A_68 = vector.shape_cast %get3A_67 : vector<1x16xf32> to vector<16xf32>
      %add3A_69 = arith.addf %get3A_64, %get3A_68 : vector<16xf32>
      %swap3A_70 = arith.index_cast %add3A_17 : i32 to index
      %swap3A_71 = arith.constant 48 : index
      %swap3A_72 = tpu.vector_load %arg10[%swap3A_70, %swap3A_71] {strides = array<i32>} : memref<288x128xf32, #tpu.memory_space<vmem>>, vector<1x16xf32>,
      %swap3A_73 = vector.shape_cast %swap3A_72 : vector<1x16xf32> to vector<16xf32>
      %swap3A_74 = vector.shape_cast %add3A_69 : vector<16xf32> to vector<1x16xf32>
      tpu.vector_store %arg10[%swap3A_70, %swap3A_71], %swap3A_74 {strides = array<i32>} : memref<288x128xf32, #tpu.memory_space<vmem>>, vector<1x16xf32>,
      %get3A_75 = arith.index_cast %shift_right_logical3A_19 : i32 to index
      %get3A_76 = arith.constant 64 : index
      %get3A_77 = tpu.vector_load %arg9[%get3A_75, %get3A_76] {strides = array<i32>} : memref<72x128xf32, #tpu.memory_space<vmem>>, vector<1x16xf32>,
      %get3A_78 = vector.shape_cast %get3A_77 : vector<1x16xf32> to vector<16xf32>
      %get3A_79 = arith.index_cast %and3A_20 : i32 to index
      %get3A_80 = arith.constant 64 : index
      %get3A_81 = tpu.vector_load %arg8[%get3A_79, %get3A_80] {strides = array<i32>} : memref<64x128xf32, #tpu.memory_space<vmem>>, vector<1x16xf32>,
      %get3A_82 = vector.shape_cast %get3A_81 : vector<1x16xf32> to vector<16xf32>
      %add3A_83 = arith.addf %get3A_78, %get3A_82 : vector<16xf32>
      %swap3A_84 = arith.index_cast %add3A_17 : i32 to index
      %swap3A_85 = arith.constant 64 : index
      %swap3A_86 = tpu.vector_load %arg10[%swap3A_84, %swap3A_85] {strides = array<i32>} : memref<288x128xf32, #tpu.memory_space<vmem>>, vector<1x16xf32>,
      %swap3A_87 = vector.shape_cast %swap3A_86 : vector<1x16xf32> to vector<16xf32>
      %swap3A_88 = vector.shape_cast %add3A_83 : vector<16xf32> to vector<1x16xf32>
      tpu.vector_store %arg10[%swap3A_84, %swap3A_85], %swap3A_88 {strides = array<i32>} : memref<288x128xf32, #tpu.memory_space<vmem>>, vector<1x16xf32>,
      %get3A_89 = arith.index_cast %shift_right_logical3A_19 : i32 to index
      %get3A_90 = arith.constant 80 : index
      %get3A_91 = tpu.vector_load %arg9[%get3A_89, %get3A_90] {strides = array<i32>} : memref<72x128xf32, #tpu.memory_space<vmem>>, vector<1x16xf32>,
      %get3A_92 = vector.shape_cast %get3A_91 : vector<1x16xf32> to vector<16xf32>
      %get3A_93 = arith.index_cast %and3A_20 : i32 to index
      %get3A_94 = arith.constant 80 : index
      %get3A_95 = tpu.vector_load %arg8[%get3A_93, %get3A_94] {strides = array<i32>} : memref<64x128xf32, #tpu.memory_space<vmem>>, vector<1x16xf32>,
      %get3A_96 = vector.shape_cast %get3A_95 : vector<1x16xf32> to vector<16xf32>
      %add3A_97 = arith.addf %get3A_92, %get3A_96 : vector<16xf32>
      %swap3A_98 = arith.index_cast %add3A_17 : i32 to index
      %swap3A_99 = arith.constant 80 : index
      %swap3A_100 = tpu.vector_load %arg10[%swap3A_98, %swap3A_99] {strides = array<i32>} : memref<288x128xf32, #tpu.memory_space<vmem>>, vector<1x16xf32>,
      %swap3A_101 = vector.shape_cast %swap3A_100 : vector<1x16xf32> to vector<16xf32>
      %swap3A_102 = vector.shape_cast %add3A_97 : vector<16xf32> to vector<1x16xf32>
      tpu.vector_store %arg10[%swap3A_98, %swap3A_99], %swap3A_102 {strides = array<i32>} : memref<288x128xf32, #tpu.memory_space<vmem>>, vector<1x16xf32>,
      %get3A_103 = arith.index_cast %shift_right_logical3A_19 : i32 to index
      %get3A_104 = arith.constant 96 : index
      %get3A_105 = tpu.vector_load %arg9[%get3A_103, %get3A_104] {strides = array<i32>} : memref<72x128xf32, #tpu.memory_space<vmem>>, vector<1x16xf32>,
      %get3A_106 = vector.shape_cast %get3A_105 : vector<1x16xf32> to vector<16xf32>
      %get3A_107 = arith.index_cast %and3A_20 : i32 to index
      %get3A_108 = arith.constant 96 : index
      %get3A_109 = tpu.vector_load %arg8[%get3A_107, %get3A_108] {strides = array<i32>} : memref<64x128xf32, #tpu.memory_space<vmem>>, vector<1x16xf32>,
      %get3A_110 = vector.shape_cast %get3A_109 : vector<1x16xf32> to vector<16xf32>
      %add3A_111 = arith.addf %get3A_106, %get3A_110 : vector<16xf32>
      %swap3A_112 = arith.index_cast %add3A_17 : i32 to index
      %swap3A_113 = arith.constant 96 : index
      %swap3A_114 = tpu.vector_load %arg10[%swap3A_112, %swap3A_113] {strides = array<i32>} : memref<288x128xf32, #tpu.memory_space<vmem>>, vector<1x16xf32>,
      %swap3A_115 = vector.shape_cast %swap3A_114 : vector<1x16xf32> to vector<16xf32>
      %swap3A_116 = vector.shape_cast %add3A_111 : vector<16xf32> to vector<1x16xf32>
      tpu.vector_store %arg10[%swap3A_112, %swap3A_113], %swap3A_116 {strides = array<i32>} : memref<288x128xf32, #tpu.memory_space<vmem>>, vector<1x16xf32>,
      %get3A_117 = arith.index_cast %shift_right_logical3A_19 : i32 to index
      %get3A_118 = arith.constant 112 : index
      %get3A_119 = tpu.vector_load %arg9[%get3A_117, %get3A_118] {strides = array<i32>} : memref<72x128xf32, #tpu.memory_space<vmem>>, vector<1x16xf32>,
      %get3A_120 = vector.shape_cast %get3A_119 : vector<1x16xf32> to vector<16xf32>
      %get3A_121 = arith.index_cast %and3A_20 : i32 to index
      %get3A_122 = arith.constant 112 : index
      %get3A_123 = tpu.vector_load %arg8[%get3A_121, %get3A_122] {strides = array<i32>} : memref<64x128xf32, #tpu.memory_space<vmem>>, vector<1x16xf32>,
      %get3A_124 = vector.shape_cast %get3A_123 : vector<1x16xf32> to vector<16xf32>
      %add3A_125 = arith.addf %get3A_120, %get3A_124 : vector<16xf32>
      %swap3A_126 = arith.index_cast %add3A_17 : i32 to index
      %swap3A_127 = arith.constant 112 : index
      %swap3A_128 = tpu.vector_load %arg10[%swap3A_126, %swap3A_127] {strides = array<i32>} : memref<288x128xf32, #tpu.memory_space<vmem>>, vector<1x16xf32>,
      %swap3A_129 = vector.shape_cast %swap3A_128 : vector<1x16xf32> to vector<16xf32>
      %swap3A_130 = vector.shape_cast %add3A_125 : vector<16xf32> to vector<1x16xf32>
      tpu.vector_store %arg10[%swap3A_126, %swap3A_127], %swap3A_130 {strides = array<i32>} : memref<288x128xf32, #tpu.memory_space<vmem>>, vector<1x16xf32>,
    }
    %scan3A_4 = arith.constant 288 : i32
    "tpu.region"() ({
      %run_scoped3A = tpu.sem_alloc : memref<!tpu.dma_semaphore, #tpu.memory_space<semaphore_mem>>
      %dma_start3A = arith.constant 0 : i32
      %dma_start3A_13 = tpu.memref_slice %arg11[%mul3A_0, %dma_start3A] : memref<4608x128xf32, #tpu.memory_space<vmem_shared>> -> memref<288x128xf32, #tpu.memory_space<vmem_shared>>
      %dma_start3A_14 = arith.constant 0 : i32
      %dma_start3A_15 = tpu.memref_slice %arg11[%mul3A_0, %dma_start3A_14] : memref<4608x128xf32, #tpu.memory_space<vmem_shared>> -> memref<288x128xf32, #tpu.memory_space<vmem_shared>>
      tpu.enqueue_dma source(%arg10 : memref<288x128xf32, #tpu.memory_space<vmem>>) target(%dma_start3A_15 : memref<288x128xf32, #tpu.memory_space<vmem_shared>>) target_semaphore(%run_scoped3A : memref<!tpu.dma_semaphore, #tpu.memory_space<semaphore_mem>>)
      %dma_wait3A = arith.constant 0 : i32
      %dma_wait3A_16 = tpu.memref_slice %arg11[%mul3A_0, %dma_wait3A] : memref<4608x128xf32, #tpu.memory_space<vmem_shared>> -> memref<288x128xf32, #tpu.memory_space<vmem_shared>>
      %dma_wait3A_17 = arith.constant 0 : i32
      %dma_wait3A_18 = tpu.memref_slice %arg11[%mul3A_0, %dma_wait3A_17] : memref<4608x128xf32, #tpu.memory_space<vmem_shared>> -> memref<288x128xf32, #tpu.memory_space<vmem_shared>>
      tpu.wait_dma2 semaphore(%run_scoped3A : memref<!tpu.dma_semaphore, #tpu.memory_space<semaphore_mem>>) src(%arg10 : memref<288x128xf32, #tpu.memory_space<vmem>>) dst(%dma_wait3A_18 : memref<288x128xf32, #tpu.memory_space<vmem_shared>>)
      tpu.yield
    }) : () -> ()
    %barrier3A = arith.constant 0 : index
    tpu.barrier barrier_id(%barrier3A)
    %mul3A_5 = arith.constant 1 : i32
    %mul3A_6 = arith.muli %arg1, %mul3A_5 : i32
    %add3A = arith.constant 0 : i32
    %add3A_7 = arith.addi %add3A, %mul3A_6 : i32
    %mul3A_8 = arith.constant 16 : i32
    %mul3A_9 = arith.muli %arg0, %mul3A_8 : i32
    %add3A_10 = arith.addi %add3A_7, %mul3A_9 : i32
    %mul3A_11 = arith.constant 800 : i32
    %mul3A_12 = arith.muli %add3A_10, %mul3A_11 : i32
    "tpu.region"() ({
      %run_scoped3A = memref.alloca() : memref<2x1x128xi32, #tpu.memory_space<vmem>>
      %run_scoped3A_13 = tpu.sem_alloc : memref<2x!tpu.dma_semaphore, #tpu.memory_space<semaphore_mem>>
      %run_scoped3A_14 = memref.alloca() : memref<2x1x128xi32, #tpu.memory_space<vmem>>
      %run_scoped3A_15 = tpu.sem_alloc : memref<2x!tpu.dma_semaphore, #tpu.memory_space<semaphore_mem>>
      %run_scoped3A_16 = memref.alloca() : memref<2x128x128xf32, #tpu.memory_space<vmem>>
      %run_scoped3A_17 = tpu.sem_alloc : memref<2x!tpu.dma_semaphore, #tpu.memory_space<semaphore_mem>>
      %add3A_18 = arith.constant 0 : i32
      %add3A_19 = arith.addi %add3A_18, %mul3A_12 : i32
      %select_n3A = arith.constant true
      %select_n3A_20 = arith.constant 0 : i32
      %select_n3A_21 = arith.constant -1 : i32
      %select_n3A_22 = arith.select %select_n3A, %select_n3A_21, %select_n3A_20 : i32
      %eq3A = arith.constant -1 : i32
      %eq3A_23 = arith.cmpi eq, %select_n3A_22, %eq3A : i32
      %select_n3A_24 = arith.constant 799 : i32
      %select_n3A_25 = arith.select %eq3A_23, %select_n3A_24, %select_n3A_22 : i32
      %add3A_26 = arith.addi %select_n3A_25, %mul3A_12 : i32
      %select_n3A_27 = arith.constant true
      %select_n3A_28 = arith.constant 0 : i32
      %select_n3A_29 = arith.constant 1 : i32
      %select_n3A_30 = arith.select %select_n3A_27, %select_n3A_29, %select_n3A_28 : i32
      %eq3A_31 = arith.constant 800 : i32
      %eq3A_32 = arith.cmpi eq, %select_n3A_30, %eq3A_31 : i32
      %select_n3A_33 = arith.constant 0 : i32
      %select_n3A_34 = arith.select %eq3A_32, %select_n3A_33, %select_n3A_30 : i32
      %add3A_35 = arith.addi %select_n3A_34, %mul3A_12 : i32
      %add3A_36 = arith.constant 1 : i32
      %add3A_37 = arith.addi %select_n3A_34, %add3A_36 : i32
      %select_n3A_38 = arith.constant true
      %select_n3A_39 = arith.select %select_n3A_38, %add3A_37, %select_n3A_34 : i32
      %eq3A_40 = arith.constant 800 : i32
      %eq3A_41 = arith.cmpi eq, %select_n3A_39, %eq3A_40 : i32
      %select_n3A_42 = arith.constant 0 : i32
      %select_n3A_43 = arith.select %eq3A_41, %select_n3A_42, %select_n3A_39 : i32
      %add3A_44 = arith.addi %select_n3A_43, %mul3A_12 : i32
      "tpu.trace_start"() <{level = 10 : i32, message = "ep_initialize_0"}> : () -> ()
      %rem3A = arith.constant 0 : i32
      %rem3A_45 = arith.constant 2 : i32
      %rem3A_46 = arith.remui %rem3A, %rem3A_45 : i32
      %mul3A_47 = arith.constant 128 : i32
      %mul3A_48 = arith.muli %mul3A_47, %add3A_19 : i32
      %dma_start3A = arith.constant 0 : i32
      %dma_start3A_49 = arith.constant 0 : i32
      %dma_start3A_50 = tpu.memref_slice %run_scoped3A[%rem3A_46, %dma_start3A, %dma_start3A_49] : memref<2x1x128xi32, #tpu.memory_space<vmem>> -> memref<1x1x128xi32, #tpu.memory_space<vmem>>
      %dma_start3A_51 = tpu.memref_squeeze %dma_start3A_50 : memref<1x1x128xi32, #tpu.memory_space<vmem>> -> memref<1x128xi32, #tpu.memory_space<vmem>>
      %dma_start3A_52 = arith.constant 0 : i32
      %dma_start3A_53 = tpu.memref_slice %arg4[%dma_start3A_52, %mul3A_48] : memref<1x3276800xi32, #tpu.memory_space<hbm>> -> memref<1x128xi32, #tpu.memory_space<hbm>>
      %dma_start3A_54 = tpu.memref_slice %run_scoped3A_13[%rem3A_46] : memref<2x!tpu.dma_semaphore, #tpu.memory_space<semaphore_mem>> -> memref<1x!tpu.dma_semaphore, #tpu.memory_space<semaphore_mem>>
      %dma_start3A_55 = tpu.memref_squeeze %dma_start3A_54 : memref<1x!tpu.dma_semaphore, #tpu.memory_space<semaphore_mem>> -> memref<!tpu.dma_semaphore, #tpu.memory_space<semaphore_mem>>
      %dma_start3A_56 = arith.constant 0 : i32
      %dma_start3A_57 = arith.constant 0 : i32
      %dma_start3A_58 = tpu.memref_slice %run_scoped3A[%rem3A_46, %dma_start3A_56, %dma_start3A_57] : memref<2x1x128xi32, #tpu.memory_space<vmem>> -> memref<1x1x128xi32, #tpu.memory_space<vmem>>
      %dma_start3A_59 = tpu.memref_squeeze %dma_start3A_58 : memref<1x1x128xi32, #tpu.memory_space<vmem>> -> memref<1x128xi32, #tpu.memory_space<vmem>>
      %dma_start3A_60 = arith.constant 0 : i32
      %dma_start3A_61 = tpu.memref_slice %arg4[%dma_start3A_60, %mul3A_48] : memref<1x3276800xi32, #tpu.memory_space<hbm>> -> memref<1x128xi32, #tpu.memory_space<hbm>>
      tpu.enqueue_dma source(%dma_start3A_61 : memref<1x128xi32, #tpu.memory_space<hbm>>) target(%dma_start3A_59 : memref<1x128xi32, #tpu.memory_space<vmem>>) target_semaphore(%dma_start3A_55 : memref<!tpu.dma_semaphore, #tpu.memory_space<semaphore_mem>>)
      %add3A_62 = arith.constant 0 : i32
      %add3A_63 = arith.constant 1 : i32
      %add3A_64 = arith.addi %add3A_62, %add3A_63 : i32
      %select_n3A_65 = arith.constant true
      %select_n3A_66 = arith.constant 0 : i32
      %select_n3A_67 = arith.select %select_n3A_65, %add3A_64, %select_n3A_66 : i32
      %rem3A_68 = arith.constant 0 : i32
      %rem3A_69 = arith.constant 2 : i32
      %rem3A_70 = arith.remui %rem3A_68, %rem3A_69 : i32
      %mul3A_71 = arith.constant 128 : i32
      %mul3A_72 = arith.muli %mul3A_71, %add3A_19 : i32
      %dma_start3A_73 = arith.constant 0 : i32
      %dma_start3A_74 = arith.constant 0 : i32
      %dma_start3A_75 = tpu.memref_slice %run_scoped3A_14[%rem3A_70, %dma_start3A_73, %dma_start3A_74] : memref<2x1x128xi32, #tpu.memory_space<vmem>> -> memref<1x1x128xi32, #tpu.memory_space<vmem>>
      %dma_start3A_76 = tpu.memref_squeeze %dma_start3A_75 : memref<1x1x128xi32, #tpu.memory_space<vmem>> -> memref<1x128xi32, #tpu.memory_space<vmem>>
      %dma_start3A_77 = arith.constant 0 : i32
      %dma_start3A_78 = tpu.memref_slice %arg5[%dma_start3A_77, %mul3A_72] : memref<1x3276800xi32, #tpu.memory_space<hbm>> -> memref<1x128xi32, #tpu.memory_space<hbm>>
      %dma_start3A_79 = tpu.memref_slice %run_scoped3A_15[%rem3A_70] : memref<2x!tpu.dma_semaphore, #tpu.memory_space<semaphore_mem>> -> memref<1x!tpu.dma_semaphore, #tpu.memory_space<semaphore_mem>>
      %dma_start3A_80 = tpu.memref_squeeze %dma_start3A_79 : memref<1x!tpu.dma_semaphore, #tpu.memory_space<semaphore_mem>> -> memref<!tpu.dma_semaphore, #tpu.memory_space<semaphore_mem>>
      %dma_start3A_81 = arith.constant 0 : i32
      %dma_start3A_82 = arith.constant 0 : i32
      %dma_start3A_83 = tpu.memref_slice %run_scoped3A_14[%rem3A_70, %dma_start3A_81, %dma_start3A_82] : memref<2x1x128xi32, #tpu.memory_space<vmem>> -> memref<1x1x128xi32, #tpu.memory_space<vmem>>
      %dma_start3A_84 = tpu.memref_squeeze %dma_start3A_83 : memref<1x1x128xi32, #tpu.memory_space<vmem>> -> memref<1x128xi32, #tpu.memory_space<vmem>>
      %dma_start3A_85 = arith.constant 0 : i32
      %dma_start3A_86 = tpu.memref_slice %arg5[%dma_start3A_85, %mul3A_72] : memref<1x3276800xi32, #tpu.memory_space<hbm>> -> memref<1x128xi32, #tpu.memory_space<hbm>>
      tpu.enqueue_dma source(%dma_start3A_86 : memref<1x128xi32, #tpu.memory_space<hbm>>) target(%dma_start3A_84 : memref<1x128xi32, #tpu.memory_space<vmem>>) target_semaphore(%dma_start3A_80 : memref<!tpu.dma_semaphore, #tpu.memory_space<semaphore_mem>>)
      %add3A_87 = arith.constant 0 : i32
      %add3A_88 = arith.constant 1 : i32
      %add3A_89 = arith.addi %add3A_87, %add3A_88 : i32
      %select_n3A_90 = arith.constant true
      %select_n3A_91 = arith.constant 0 : i32
      %select_n3A_92 = arith.select %select_n3A_90, %add3A_89, %select_n3A_91 : i32
      "tpu.trace_stop"() : () -> ()
      %scan3A_93 = arith.constant 0 : i32
      %scan3A_94 = arith.constant 0 : i32
      %scan3A_95 = arith.constant 0 : i32
      %scan3A_96 = arith.constant 0 : i32
      %scan3A_97 = arith.constant 0 : i32
      %scan3A_98 = arith.constant 0 : i32
      %scan3A_99 = arith.constant 800 : i32
      %scan3A_100 = arith.addi %scan3A_98, %scan3A_99 : i32
      %scan3A_101 = arith.constant 1 : i32
      %scan3A_102:7 = scf.for %scan3A_156 = %scan3A_98 to %scan3A_100 step %scan3A_101 iter_args(%scan3A_157 = %select_n3A_67, %scan3A_158 = %scan3A_93, %scan3A_159 = %select_n3A_92, %scan3A_160 = %scan3A_94, %scan3A_161 = %scan3A_95, %scan3A_162 = %scan3A_96, %scan3A_163 = %scan3A_97) -> (i32, i32, i32, i32, i32, i32, i32)  : i32 {
        %eq3A_164 = arith.constant 0 : i32
        %eq3A_165 = arith.cmpi eq, %scan3A_156, %eq3A_164 : i32
        %eq3A_166 = arith.constant 799 : i32
        %eq3A_167 = arith.cmpi eq, %scan3A_156, %eq3A_166 : i32
        %add3A_168 = arith.addi %scan3A_163, %mul3A_12 : i32
        %sub3A_169 = arith.constant 1 : i32
        %sub3A_170 = arith.subi %scan3A_163, %sub3A_169 : i32
        %select_n3A_171 = arith.constant true
        %select_n3A_172 = arith.select %select_n3A_171, %sub3A_170, %scan3A_163 : i32
        %eq3A_173 = arith.constant -1 : i32
        %eq3A_174 = arith.cmpi eq, %select_n3A_172, %eq3A_173 : i32
        %select_n3A_175 = arith.constant 799 : i32
        %select_n3A_176 = arith.select %eq3A_174, %select_n3A_175, %select_n3A_172 : i32
        %add3A_177 = arith.addi %select_n3A_176, %mul3A_12 : i32
        %add3A_178 = arith.constant 1 : i32
        %add3A_179 = arith.addi %scan3A_163, %add3A_178 : i32
        %select_n3A_180 = arith.constant true
        %select_n3A_181 = arith.select %select_n3A_180, %add3A_179, %scan3A_163 : i32
        %eq3A_182 = arith.constant 800 : i32
        %eq3A_183 = arith.cmpi eq, %select_n3A_181, %eq3A_182 : i32
        %select_n3A_184 = arith.constant 0 : i32
        %select_n3A_185 = arith.select %eq3A_183, %select_n3A_184, %select_n3A_181 : i32
        %add3A_186 = arith.addi %select_n3A_185, %mul3A_12 : i32
        %add3A_187 = arith.constant 1 : i32
        %add3A_188 = arith.addi %select_n3A_185, %add3A_187 : i32
        %select_n3A_189 = arith.constant true
        %select_n3A_190 = arith.select %select_n3A_189, %add3A_188, %select_n3A_185 : i32
        %eq3A_191 = arith.constant 800 : i32
        %eq3A_192 = arith.cmpi eq, %select_n3A_190, %eq3A_191 : i32
        %select_n3A_193 = arith.constant 0 : i32
        %select_n3A_194 = arith.select %eq3A_192, %select_n3A_193, %select_n3A_190 : i32
        %add3A_195 = arith.addi %select_n3A_194, %mul3A_12 : i32
        %ne3A = arith.cmpi ne, %add3A_168, %add3A_186 : i32
        %or3A = arith.constant false
        %or3A_196 = arith.ori %or3A, %ne3A : i1
        %ge3A = arith.constant 799 : i32
        %ge3A_197 = arith.cmpi sge, %scan3A_156, %ge3A : i32
        %not3A = arith.constant true
        %not3A_198 = arith.xori %ge3A_197, %not3A : i1
        %and3A = arith.andi %or3A_196, %not3A_198 : i1
        %convert_element_type3A = arith.extui %and3A : i1 to i32
        %cond3A = arith.constant 0 : i32
        %cond3A_199 = arith.cmpi ne, %convert_element_type3A, %cond3A : i32
        scf.if %cond3A_199 {
          "tpu.trace_start"() <{level = 10 : i32, message = "ep_copy_in"}> : () -> ()
          %rem3A_590 = arith.constant 2 : i32
          %rem3A_591 = arith.remui %scan3A_157, %rem3A_590 : i32
          %mul3A_592 = arith.constant 128 : i32
          %mul3A_593 = arith.muli %mul3A_592, %add3A_186 : i32
          %dma_start3A_594 = arith.constant 0 : i32
          %dma_start3A_595 = arith.constant 0 : i32
          %dma_start3A_596 = tpu.memref_slice %run_scoped3A[%rem3A_591, %dma_start3A_594, %dma_start3A_595] : memref<2x1x128xi32, #tpu.memory_space<vmem>> -> memref<1x1x128xi32, #tpu.memory_space<vmem>>
          %dma_start3A_597 = tpu.memref_squeeze %dma_start3A_596 : memref<1x1x128xi32, #tpu.memory_space<vmem>> -> memref<1x128xi32, #tpu.memory_space<vmem>>
          %dma_start3A_598 = arith.constant 0 : i32
          %dma_start3A_599 = tpu.memref_slice %arg4[%dma_start3A_598, %mul3A_593] : memref<1x3276800xi32, #tpu.memory_space<hbm>> -> memref<1x128xi32, #tpu.memory_space<hbm>>
          %dma_start3A_600 = tpu.memref_slice %run_scoped3A_13[%rem3A_591] : memref<2x!tpu.dma_semaphore, #tpu.memory_space<semaphore_mem>> -> memref<1x!tpu.dma_semaphore, #tpu.memory_space<semaphore_mem>>
          %dma_start3A_601 = tpu.memref_squeeze %dma_start3A_600 : memref<1x!tpu.dma_semaphore, #tpu.memory_space<semaphore_mem>> -> memref<!tpu.dma_semaphore, #tpu.memory_space<semaphore_mem>>
          %dma_start3A_602 = arith.constant 0 : i32
          %dma_start3A_603 = arith.constant 0 : i32
          %dma_start3A_604 = tpu.memref_slice %run_scoped3A[%rem3A_591, %dma_start3A_602, %dma_start3A_603] : memref<2x1x128xi32, #tpu.memory_space<vmem>> -> memref<1x1x128xi32, #tpu.memory_space<vmem>>
          %dma_start3A_605 = tpu.memref_squeeze %dma_start3A_604 : memref<1x1x128xi32, #tpu.memory_space<vmem>> -> memref<1x128xi32, #tpu.memory_space<vmem>>
          %dma_start3A_606 = arith.constant 0 : i32
          %dma_start3A_607 = tpu.memref_slice %arg4[%dma_start3A_606, %mul3A_593] : memref<1x3276800xi32, #tpu.memory_space<hbm>> -> memref<1x128xi32, #tpu.memory_space<hbm>>
          tpu.enqueue_dma source(%dma_start3A_607 : memref<1x128xi32, #tpu.memory_space<hbm>>) target(%dma_start3A_605 : memref<1x128xi32, #tpu.memory_space<vmem>>) target_semaphore(%dma_start3A_601 : memref<!tpu.dma_semaphore, #tpu.memory_space<semaphore_mem>>)
          "tpu.trace_stop"() : () -> ()
        } else {
        }
        %and3A_200 = arith.constant true
        %and3A_201 = arith.andi %and3A, %and3A_200 : i1
        %add3A_202 = arith.constant 1 : i32
        %add3A_203 = arith.addi %scan3A_157, %add3A_202 : i32
        %select_n3A_204 = arith.select %and3A_201, %add3A_203, %scan3A_157 : i32
        %ne3A_205 = arith.cmpi ne, %add3A_168, %add3A_186 : i32
        %or3A_206 = arith.constant false
        %or3A_207 = arith.ori %or3A_206, %ne3A_205 : i1
        %ge3A_208 = arith.constant 799 : i32
        %ge3A_209 = arith.cmpi sge, %scan3A_156, %ge3A_208 : i32
        %not3A_210 = arith.constant true
        %not3A_211 = arith.xori %ge3A_209, %not3A_210 : i1
        %and3A_212 = arith.andi %or3A_207, %not3A_211 : i1
        %convert_element_type3A_213 = arith.extui %and3A_212 : i1 to i32
        %cond3A_214 = arith.constant 0 : i32
        %cond3A_215 = arith.cmpi ne, %convert_element_type3A_213, %cond3A_214 : i32
        scf.if %cond3A_215 {
          "tpu.trace_start"() <{level = 10 : i32, message = "ep_copy_in"}> : () -> ()
          %rem3A_590 = arith.constant 2 : i32
          %rem3A_591 = arith.remui %scan3A_159, %rem3A_590 : i32
          %mul3A_592 = arith.constant 128 : i32
          %mul3A_593 = arith.muli %mul3A_592, %add3A_186 : i32
          %dma_start3A_594 = arith.constant 0 : i32
          %dma_start3A_595 = arith.constant 0 : i32
          %dma_start3A_596 = tpu.memref_slice %run_scoped3A_14[%rem3A_591, %dma_start3A_594, %dma_start3A_595] : memref<2x1x128xi32, #tpu.memory_space<vmem>> -> memref<1x1x128xi32, #tpu.memory_space<vmem>>
          %dma_start3A_597 = tpu.memref_squeeze %dma_start3A_596 : memref<1x1x128xi32, #tpu.memory_space<vmem>> -> memref<1x128xi32, #tpu.memory_space<vmem>>
          %dma_start3A_598 = arith.constant 0 : i32
          %dma_start3A_599 = tpu.memref_slice %arg5[%dma_start3A_598, %mul3A_593] : memref<1x3276800xi32, #tpu.memory_space<hbm>> -> memref<1x128xi32, #tpu.memory_space<hbm>>
          %dma_start3A_600 = tpu.memref_slice %run_scoped3A_15[%rem3A_591] : memref<2x!tpu.dma_semaphore, #tpu.memory_space<semaphore_mem>> -> memref<1x!tpu.dma_semaphore, #tpu.memory_space<semaphore_mem>>
          %dma_start3A_601 = tpu.memref_squeeze %dma_start3A_600 : memref<1x!tpu.dma_semaphore, #tpu.memory_space<semaphore_mem>> -> memref<!tpu.dma_semaphore, #tpu.memory_space<semaphore_mem>>
          %dma_start3A_602 = arith.constant 0 : i32
          %dma_start3A_603 = arith.constant 0 : i32
          %dma_start3A_604 = tpu.memref_slice %run_scoped3A_14[%rem3A_591, %dma_start3A_602, %dma_start3A_603] : memref<2x1x128xi32, #tpu.memory_space<vmem>> -> memref<1x1x128xi32, #tpu.memory_space<vmem>>
          %dma_start3A_605 = tpu.memref_squeeze %dma_start3A_604 : memref<1x1x128xi32, #tpu.memory_space<vmem>> -> memref<1x128xi32, #tpu.memory_space<vmem>>
          %dma_start3A_606 = arith.constant 0 : i32
          %dma_start3A_607 = tpu.memref_slice %arg5[%dma_start3A_606, %mul3A_593] : memref<1x3276800xi32, #tpu.memory_space<hbm>> -> memref<1x128xi32, #tpu.memory_space<hbm>>
          tpu.enqueue_dma source(%dma_start3A_607 : memref<1x128xi32, #tpu.memory_space<hbm>>) target(%dma_start3A_605 : memref<1x128xi32, #tpu.memory_space<vmem>>) target_semaphore(%dma_start3A_601 : memref<!tpu.dma_semaphore, #tpu.memory_space<semaphore_mem>>)
          "tpu.trace_stop"() : () -> ()
        } else {
        }
        %and3A_216 = arith.constant true
        %and3A_217 = arith.andi %and3A_212, %and3A_216 : i1
        %add3A_218 = arith.constant 1 : i32
        %add3A_219 = arith.addi %scan3A_159, %add3A_218 : i32
        %select_n3A_220 = arith.select %and3A_217, %add3A_219, %scan3A_159 : i32
        %ne3A_221 = arith.cmpi ne, %add3A_168, %add3A_186 : i32
        %or3A_222 = arith.constant false
        %or3A_223 = arith.ori %or3A_222, %ne3A_221 : i1
        %or3A_224 = arith.constant false
        %or3A_225 = arith.ori %or3A_223, %or3A_224 : i1
        %ge3A_226 = arith.constant 799 : i32
        %ge3A_227 = arith.cmpi sge, %scan3A_156, %ge3A_226 : i32
        %not3A_228 = arith.constant true
        %not3A_229 = arith.xori %ge3A_227, %not3A_228 : i1
        %and3A_230 = arith.andi %or3A_225, %not3A_229 : i1
        %ne3A_231 = arith.cmpi ne, %add3A_168, %add3A_177 : i32
        %or3A_232 = arith.constant false
        %or3A_233 = arith.ori %or3A_232, %ne3A_231 : i1
        %or3A_234 = arith.ori %or3A_233, %eq3A_165 : i1
        %convert_element_type3A_235 = arith.extui %or3A_234 : i1 to i32
        %cond3A_236 = arith.constant 0 : i32
        %cond3A_237 = arith.cmpi ne, %convert_element_type3A_235, %cond3A_236 : i32
        scf.if %cond3A_237 {
          "tpu.trace_start"() <{level = 10 : i32, message = "ep_wait_in"}> : () -> ()
          %mul3A_590 = arith.constant 128 : i32
          %mul3A_591 = arith.muli %mul3A_590, %add3A_168 : i32
          %rem3A_592 = arith.constant 2 : i32
          %rem3A_593 = arith.remui %scan3A_158, %rem3A_592 : i32
          %dma_wait3A_594 = arith.constant 0 : i32
          %dma_wait3A_595 = arith.constant 0 : i32
          %dma_wait3A_596 = tpu.memref_slice %run_scoped3A[%rem3A_593, %dma_wait3A_594, %dma_wait3A_595] : memref<2x1x128xi32, #tpu.memory_space<vmem>> -> memref<1x1x128xi32, #tpu.memory_space<vmem>>
          %dma_wait3A_597 = tpu.memref_squeeze %dma_wait3A_596 : memref<1x1x128xi32, #tpu.memory_space<vmem>> -> memref<1x128xi32, #tpu.memory_space<vmem>>
          %dma_wait3A_598 = arith.constant 0 : i32
          %dma_wait3A_599 = tpu.memref_slice %arg4[%dma_wait3A_598, %mul3A_591] : memref<1x3276800xi32, #tpu.memory_space<hbm>> -> memref<1x128xi32, #tpu.memory_space<hbm>>
          %dma_wait3A_600 = tpu.memref_slice %run_scoped3A_13[%rem3A_593] : memref<2x!tpu.dma_semaphore, #tpu.memory_space<semaphore_mem>> -> memref<1x!tpu.dma_semaphore, #tpu.memory_space<semaphore_mem>>
          %dma_wait3A_601 = tpu.memref_squeeze %dma_wait3A_600 : memref<1x!tpu.dma_semaphore, #tpu.memory_space<semaphore_mem>> -> memref<!tpu.dma_semaphore, #tpu.memory_space<semaphore_mem>>
          %dma_wait3A_602 = arith.constant 0 : i32
          %dma_wait3A_603 = arith.constant 0 : i32
          %dma_wait3A_604 = tpu.memref_slice %run_scoped3A[%rem3A_593, %dma_wait3A_602, %dma_wait3A_603] : memref<2x1x128xi32, #tpu.memory_space<vmem>> -> memref<1x1x128xi32, #tpu.memory_space<vmem>>
          %dma_wait3A_605 = tpu.memref_squeeze %dma_wait3A_604 : memref<1x1x128xi32, #tpu.memory_space<vmem>> -> memref<1x128xi32, #tpu.memory_space<vmem>>
          %dma_wait3A_606 = arith.constant 0 : i32
          %dma_wait3A_607 = tpu.memref_slice %arg4[%dma_wait3A_606, %mul3A_591] : memref<1x3276800xi32, #tpu.memory_space<hbm>> -> memref<1x128xi32, #tpu.memory_space<hbm>>
          tpu.wait_dma2 semaphore(%dma_wait3A_601 : memref<!tpu.dma_semaphore, #tpu.memory_space<semaphore_mem>>) src(%dma_wait3A_607 : memref<1x128xi32, #tpu.memory_space<hbm>>) dst(%dma_wait3A_605 : memref<1x128xi32, #tpu.memory_space<vmem>>)
          "tpu.trace_stop"() : () -> ()
        } else {
        }
        %ne3A_238 = arith.cmpi ne, %add3A_168, %add3A_177 : i32
        %or3A_239 = arith.constant false
        %or3A_240 = arith.ori %or3A_239, %ne3A_238 : i1
        %or3A_241 = arith.ori %or3A_240, %eq3A_165 : i1
        %convert_element_type3A_242 = arith.extui %or3A_241 : i1 to i32
        %cond3A_243 = arith.constant 0 : i32
        %cond3A_244 = arith.cmpi ne, %convert_element_type3A_242, %cond3A_243 : i32
        scf.if %cond3A_244 {
          "tpu.trace_start"() <{level = 10 : i32, message = "ep_wait_in"}> : () -> ()
          %mul3A_590 = arith.constant 128 : i32
          %mul3A_591 = arith.muli %mul3A_590, %add3A_168 : i32
          %rem3A_592 = arith.constant 2 : i32
          %rem3A_593 = arith.remui %scan3A_160, %rem3A_592 : i32
          %dma_wait3A_594 = arith.constant 0 : i32
          %dma_wait3A_595 = arith.constant 0 : i32
          %dma_wait3A_596 = tpu.memref_slice %run_scoped3A_14[%rem3A_593, %dma_wait3A_594, %dma_wait3A_595] : memref<2x1x128xi32, #tpu.memory_space<vmem>> -> memref<1x1x128xi32, #tpu.memory_space<vmem>>
          %dma_wait3A_597 = tpu.memref_squeeze %dma_wait3A_596 : memref<1x1x128xi32, #tpu.memory_space<vmem>> -> memref<1x128xi32, #tpu.memory_space<vmem>>
          %dma_wait3A_598 = arith.constant 0 : i32
          %dma_wait3A_599 = tpu.memref_slice %arg5[%dma_wait3A_598, %mul3A_591] : memref<1x3276800xi32, #tpu.memory_space<hbm>> -> memref<1x128xi32, #tpu.memory_space<hbm>>
          %dma_wait3A_600 = tpu.memref_slice %run_scoped3A_15[%rem3A_593] : memref<2x!tpu.dma_semaphore, #tpu.memory_space<semaphore_mem>> -> memref<1x!tpu.dma_semaphore, #tpu.memory_space<semaphore_mem>>
          %dma_wait3A_601 = tpu.memref_squeeze %dma_wait3A_600 : memref<1x!tpu.dma_semaphore, #tpu.memory_space<semaphore_mem>> -> memref<!tpu.dma_semaphore, #tpu.memory_space<semaphore_mem>>
          %dma_wait3A_602 = arith.constant 0 : i32
          %dma_wait3A_603 = arith.constant 0 : i32
          %dma_wait3A_604 = tpu.memref_slice %run_scoped3A_14[%rem3A_593, %dma_wait3A_602, %dma_wait3A_603] : memref<2x1x128xi32, #tpu.memory_space<vmem>> -> memref<1x1x128xi32, #tpu.memory_space<vmem>>
          %dma_wait3A_605 = tpu.memref_squeeze %dma_wait3A_604 : memref<1x1x128xi32, #tpu.memory_space<vmem>> -> memref<1x128xi32, #tpu.memory_space<vmem>>
          %dma_wait3A_606 = arith.constant 0 : i32
          %dma_wait3A_607 = tpu.memref_slice %arg5[%dma_wait3A_606, %mul3A_591] : memref<1x3276800xi32, #tpu.memory_space<hbm>> -> memref<1x128xi32, #tpu.memory_space<hbm>>
          tpu.wait_dma2 semaphore(%dma_wait3A_601 : memref<!tpu.dma_semaphore, #tpu.memory_space<semaphore_mem>>) src(%dma_wait3A_607 : memref<1x128xi32, #tpu.memory_space<hbm>>) dst(%dma_wait3A_605 : memref<1x128xi32, #tpu.memory_space<vmem>>)
          "tpu.trace_stop"() : () -> ()
        } else {
        }
        %ne3A_245 = arith.cmpi ne, %add3A_168, %add3A_177 : i32
        %or3A_246 = arith.constant false
        %or3A_247 = arith.ori %or3A_246, %ne3A_245 : i1
        %or3A_248 = arith.constant false
        %or3A_249 = arith.ori %or3A_247, %or3A_248 : i1
        %or3A_250 = arith.ori %or3A_249, %eq3A_165 : i1
        %convert_element_type3A_251 = arith.extui %or3A_250 : i1 to i32
        %cond3A_252 = arith.constant 0 : i32
        %cond3A_253 = arith.cmpi ne, %convert_element_type3A_251, %cond3A_252 : i32
        scf.if %cond3A_253 {
        } else {
        }
        %rem3A_254 = arith.constant 2 : i32
        %rem3A_255 = arith.remui %scan3A_158, %rem3A_254 : i32
        %rem3A_256 = arith.constant 2 : i32
        %rem3A_257 = arith.remui %scan3A_160, %rem3A_256 : i32
        %rem3A_258 = arith.constant 2 : i32
        %rem3A_259 = arith.remui %scan3A_161, %rem3A_258 : i32
        %get3A = arith.constant 0 : i32
        "tpu.trace_start"() <{level = 10 : i32, message = "ep_run_kernel"}> : () -> ()
        %get3A_260 = arith.constant 0 : i32
        %get3A_261 = arith.constant 0 : i32
        %get3A_262 = tpu.memref_slice %run_scoped3A[%rem3A_255, %get3A_260, %get3A_261] : memref<2x1x128xi32, #tpu.memory_space<vmem>> -> memref<1x1x128xi32, #tpu.memory_space<vmem>>
        %get3A_263 = tpu.memref_squeeze %get3A_262 : memref<1x1x128xi32, #tpu.memory_space<vmem>> -> memref<1x128xi32, #tpu.memory_space<vmem>>
        %get3A_264 = arith.constant 0 : i32
        %get3A_265 = tpu.memref_slice %get3A_263[%get3A, %get3A_264] : memref<1x128xi32, #tpu.memory_space<vmem>> -> memref<1x128xi32, #tpu.memory_space<vmem>>
        %get3A_266 = tpu.memref_squeeze %get3A_265 : memref<1x128xi32, #tpu.memory_space<vmem>> -> memref<128xi32, #tpu.memory_space<vmem>>
        %get3A_267 = arith.constant 0 : index
        %get3A_268 = tpu.vector_load %get3A_266[%get3A_267] {strides = array<i32>} : memref<128xi32, #tpu.memory_space<vmem>>, vector<16xi32>,
        %get3A_269 = vector.shape_cast %get3A_268 : vector<16xi32> to vector<16xi32>
        %mul3A_270 = arith.constant 64 : i32
        %mul3A_271 = vector.broadcast %mul3A_270 : i32 to vector<16xi32>
        %mul3A_272 = arith.muli %get3A_269, %mul3A_271 : vector<16xi32>
        %get3A_273 = arith.constant 0 : i32
        %get3A_274 = arith.constant 0 : i32
        %get3A_275 = arith.constant 0 : i32
        %get3A_276 = tpu.memref_slice %run_scoped3A_14[%rem3A_257, %get3A_274, %get3A_275] : memref<2x1x128xi32, #tpu.memory_space<vmem>> -> memref<1x1x128xi32, #tpu.memory_space<vmem>>
        %get3A_277 = tpu.memref_squeeze %get3A_276 : memref<1x1x128xi32, #tpu.memory_space<vmem>> -> memref<1x128xi32, #tpu.memory_space<vmem>>
        %get3A_278 = arith.constant 0 : i32
        %get3A_279 = tpu.memref_slice %get3A_277[%get3A_273, %get3A_278] : memref<1x128xi32, #tpu.memory_space<vmem>> -> memref<1x128xi32, #tpu.memory_space<vmem>>
        %get3A_280 = tpu.memref_squeeze %get3A_279 : memref<1x128xi32, #tpu.memory_space<vmem>> -> memref<128xi32, #tpu.memory_space<vmem>>
        %get3A_281 = arith.constant 0 : index
        %get3A_282 = tpu.vector_load %get3A_280[%get3A_281] {strides = array<i32>} : memref<128xi32, #tpu.memory_space<vmem>>, vector<16xi32>,
        %get3A_283 = vector.shape_cast %get3A_282 : vector<16xi32> to vector<16xi32>
        %add3A_284 = arith.addi %mul3A_272, %get3A_283 : vector<16xi32>
        %swap3A = arith.constant 0 : index
        %swap3A_285 = tpu.vector_load %arg7[%swap3A] {strides = array<i32>} : memref<128xi32, #tpu.memory_space<vmem>>, vector<16xi32>,
        %swap3A_286 = vector.shape_cast %swap3A_285 : vector<16xi32> to vector<16xi32>
        %swap3A_287 = vector.shape_cast %add3A_284 : vector<16xi32> to vector<16xi32>
        tpu.vector_store %arg7[%swap3A], %swap3A_287 {strides = array<i32>} : memref<128xi32, #tpu.memory_space<vmem>>, vector<16xi32>,
        %get3A_288 = arith.constant 0 : i32
        %get3A_289 = arith.constant 0 : i32
        %get3A_290 = arith.constant 0 : i32
        %get3A_291 = tpu.memref_slice %run_scoped3A[%rem3A_255, %get3A_289, %get3A_290] : memref<2x1x128xi32, #tpu.memory_space<vmem>> -> memref<1x1x128xi32, #tpu.memory_space<vmem>>
        %get3A_292 = tpu.memref_squeeze %get3A_291 : memref<1x1x128xi32, #tpu.memory_space<vmem>> -> memref<1x128xi32, #tpu.memory_space<vmem>>
        %get3A_293 = arith.constant 0 : i32
        %get3A_294 = tpu.memref_slice %get3A_292[%get3A_288, %get3A_293] : memref<1x128xi32, #tpu.memory_space<vmem>> -> memref<1x128xi32, #tpu.memory_space<vmem>>
        %get3A_295 = tpu.memref_squeeze %get3A_294 : memref<1x128xi32, #tpu.memory_space<vmem>> -> memref<128xi32, #tpu.memory_space<vmem>>
        %get3A_296 = arith.constant 16 : index
        %get3A_297 = tpu.vector_load %get3A_295[%get3A_296] {strides = array<i32>} : memref<128xi32, #tpu.memory_space<vmem>>, vector<16xi32>,
        %get3A_298 = vector.shape_cast %get3A_297 : vector<16xi32> to vector<16xi32>
        %mul3A_299 = arith.constant 64 : i32
        %mul3A_300 = vector.broadcast %mul3A_299 : i32 to vector<16xi32>
        %mul3A_301 = arith.muli %get3A_298, %mul3A_300 : vector<16xi32>
        %get3A_302 = arith.constant 0 : i32
        %get3A_303 = arith.constant 0 : i32
        %get3A_304 = arith.constant 0 : i32
        %get3A_305 = tpu.memref_slice %run_scoped3A_14[%rem3A_257, %get3A_303, %get3A_304] : memref<2x1x128xi32, #tpu.memory_space<vmem>> -> memref<1x1x128xi32, #tpu.memory_space<vmem>>
        %get3A_306 = tpu.memref_squeeze %get3A_305 : memref<1x1x128xi32, #tpu.memory_space<vmem>> -> memref<1x128xi32, #tpu.memory_space<vmem>>
        %get3A_307 = arith.constant 0 : i32
        %get3A_308 = tpu.memref_slice %get3A_306[%get3A_302, %get3A_307] : memref<1x128xi32, #tpu.memory_space<vmem>> -> memref<1x128xi32, #tpu.memory_space<vmem>>
        %get3A_309 = tpu.memref_squeeze %get3A_308 : memref<1x128xi32, #tpu.memory_space<vmem>> -> memref<128xi32, #tpu.memory_space<vmem>>
        %get3A_310 = arith.constant 16 : index
        %get3A_311 = tpu.vector_load %get3A_309[%get3A_310] {strides = array<i32>} : memref<128xi32, #tpu.memory_space<vmem>>, vector<16xi32>,
        %get3A_312 = vector.shape_cast %get3A_311 : vector<16xi32> to vector<16xi32>
        %add3A_313 = arith.addi %mul3A_301, %get3A_312 : vector<16xi32>
        %swap3A_314 = arith.constant 16 : index
        %swap3A_315 = tpu.vector_load %arg7[%swap3A_314] {strides = array<i32>} : memref<128xi32, #tpu.memory_space<vmem>>, vector<16xi32>,
        %swap3A_316 = vector.shape_cast %swap3A_315 : vector<16xi32> to vector<16xi32>
        %swap3A_317 = vector.shape_cast %add3A_313 : vector<16xi32> to vector<16xi32>
        tpu.vector_store %arg7[%swap3A_314], %swap3A_317 {strides = array<i32>} : memref<128xi32, #tpu.memory_space<vmem>>, vector<16xi32>,
        %get3A_318 = arith.constant 0 : i32
        %get3A_319 = arith.constant 0 : i32
        %get3A_320 = arith.constant 0 : i32
        %get3A_321 = tpu.memref_slice %run_scoped3A[%rem3A_255, %get3A_319, %get3A_320] : memref<2x1x128xi32, #tpu.memory_space<vmem>> -> memref<1x1x128xi32, #tpu.memory_space<vmem>>
        %get3A_322 = tpu.memref_squeeze %get3A_321 : memref<1x1x128xi32, #tpu.memory_space<vmem>> -> memref<1x128xi32, #tpu.memory_space<vmem>>
        %get3A_323 = arith.constant 0 : i32
        %get3A_324 = tpu.memref_slice %get3A_322[%get3A_318, %get3A_323] : memref<1x128xi32, #tpu.memory_space<vmem>> -> memref<1x128xi32, #tpu.memory_space<vmem>>
        %get3A_325 = tpu.memref_squeeze %get3A_324 : memref<1x128xi32, #tpu.memory_space<vmem>> -> memref<128xi32, #tpu.memory_space<vmem>>
        %get3A_326 = arith.constant 32 : index
        %get3A_327 = tpu.vector_load %get3A_325[%get3A_326] {strides = array<i32>} : memref<128xi32, #tpu.memory_space<vmem>>, vector<16xi32>,
        %get3A_328 = vector.shape_cast %get3A_327 : vector<16xi32> to vector<16xi32>
        %mul3A_329 = arith.constant 64 : i32
        %mul3A_330 = vector.broadcast %mul3A_329 : i32 to vector<16xi32>
        %mul3A_331 = arith.muli %get3A_328, %mul3A_330 : vector<16xi32>
        %get3A_332 = arith.constant 0 : i32
        %get3A_333 = arith.constant 0 : i32
        %get3A_334 = arith.constant 0 : i32
        %get3A_335 = tpu.memref_slice %run_scoped3A_14[%rem3A_257, %get3A_333, %get3A_334] : memref<2x1x128xi32, #tpu.memory_space<vmem>> -> memref<1x1x128xi32, #tpu.memory_space<vmem>>
        %get3A_336 = tpu.memref_squeeze %get3A_335 : memref<1x1x128xi32, #tpu.memory_space<vmem>> -> memref<1x128xi32, #tpu.memory_space<vmem>>
        %get3A_337 = arith.constant 0 : i32
        %get3A_338 = tpu.memref_slice %get3A_336[%get3A_332, %get3A_337] : memref<1x128xi32, #tpu.memory_space<vmem>> -> memref<1x128xi32, #tpu.memory_space<vmem>>
        %get3A_339 = tpu.memref_squeeze %get3A_338 : memref<1x128xi32, #tpu.memory_space<vmem>> -> memref<128xi32, #tpu.memory_space<vmem>>
        %get3A_340 = arith.constant 32 : index
        %get3A_341 = tpu.vector_load %get3A_339[%get3A_340] {strides = array<i32>} : memref<128xi32, #tpu.memory_space<vmem>>, vector<16xi32>,
        %get3A_342 = vector.shape_cast %get3A_341 : vector<16xi32> to vector<16xi32>
        %add3A_343 = arith.addi %mul3A_331, %get3A_342 : vector<16xi32>
        %swap3A_344 = arith.constant 32 : index
        %swap3A_345 = tpu.vector_load %arg7[%swap3A_344] {strides = array<i32>} : memref<128xi32, #tpu.memory_space<vmem>>, vector<16xi32>,
        %swap3A_346 = vector.shape_cast %swap3A_345 : vector<16xi32> to vector<16xi32>
        %swap3A_347 = vector.shape_cast %add3A_343 : vector<16xi32> to vector<16xi32>
        tpu.vector_store %arg7[%swap3A_344], %swap3A_347 {strides = array<i32>} : memref<128xi32, #tpu.memory_space<vmem>>, vector<16xi32>,
        %get3A_348 = arith.constant 0 : i32
        %get3A_349 = arith.constant 0 : i32
        %get3A_350 = arith.constant 0 : i32
        %get3A_351 = tpu.memref_slice %run_scoped3A[%rem3A_255, %get3A_349, %get3A_350] : memref<2x1x128xi32, #tpu.memory_space<vmem>> -> memref<1x1x128xi32, #tpu.memory_space<vmem>>
        %get3A_352 = tpu.memref_squeeze %get3A_351 : memref<1x1x128xi32, #tpu.memory_space<vmem>> -> memref<1x128xi32, #tpu.memory_space<vmem>>
        %get3A_353 = arith.constant 0 : i32
        %get3A_354 = tpu.memref_slice %get3A_352[%get3A_348, %get3A_353] : memref<1x128xi32, #tpu.memory_space<vmem>> -> memref<1x128xi32, #tpu.memory_space<vmem>>
        %get3A_355 = tpu.memref_squeeze %get3A_354 : memref<1x128xi32, #tpu.memory_space<vmem>> -> memref<128xi32, #tpu.memory_space<vmem>>
        %get3A_356 = arith.constant 48 : index
        %get3A_357 = tpu.vector_load %get3A_355[%get3A_356] {strides = array<i32>} : memref<128xi32, #tpu.memory_space<vmem>>, vector<16xi32>,
        %get3A_358 = vector.shape_cast %get3A_357 : vector<16xi32> to vector<16xi32>
        %mul3A_359 = arith.constant 64 : i32
        %mul3A_360 = vector.broadcast %mul3A_359 : i32 to vector<16xi32>
        %mul3A_361 = arith.muli %get3A_358, %mul3A_360 : vector<16xi32>
        %get3A_362 = arith.constant 0 : i32
        %get3A_363 = arith.constant 0 : i32
        %get3A_364 = arith.constant 0 : i32
        %get3A_365 = tpu.memref_slice %run_scoped3A_14[%rem3A_257, %get3A_363, %get3A_364] : memref<2x1x128xi32, #tpu.memory_space<vmem>> -> memref<1x1x128xi32, #tpu.memory_space<vmem>>
        %get3A_366 = tpu.memref_squeeze %get3A_365 : memref<1x1x128xi32, #tpu.memory_space<vmem>> -> memref<1x128xi32, #tpu.memory_space<vmem>>
        %get3A_367 = arith.constant 0 : i32
        %get3A_368 = tpu.memref_slice %get3A_366[%get3A_362, %get3A_367] : memref<1x128xi32, #tpu.memory_space<vmem>> -> memref<1x128xi32, #tpu.memory_space<vmem>>
        %get3A_369 = tpu.memref_squeeze %get3A_368 : memref<1x128xi32, #tpu.memory_space<vmem>> -> memref<128xi32, #tpu.memory_space<vmem>>
        %get3A_370 = arith.constant 48 : index
        %get3A_371 = tpu.vector_load %get3A_369[%get3A_370] {strides = array<i32>} : memref<128xi32, #tpu.memory_space<vmem>>, vector<16xi32>,
        %get3A_372 = vector.shape_cast %get3A_371 : vector<16xi32> to vector<16xi32>
        %add3A_373 = arith.addi %mul3A_361, %get3A_372 : vector<16xi32>
        %swap3A_374 = arith.constant 48 : index
        %swap3A_375 = tpu.vector_load %arg7[%swap3A_374] {strides = array<i32>} : memref<128xi32, #tpu.memory_space<vmem>>, vector<16xi32>,
        %swap3A_376 = vector.shape_cast %swap3A_375 : vector<16xi32> to vector<16xi32>
        %swap3A_377 = vector.shape_cast %add3A_373 : vector<16xi32> to vector<16xi32>
        tpu.vector_store %arg7[%swap3A_374], %swap3A_377 {strides = array<i32>} : memref<128xi32, #tpu.memory_space<vmem>>, vector<16xi32>,
        %get3A_378 = arith.constant 0 : i32
        %get3A_379 = arith.constant 0 : i32
        %get3A_380 = arith.constant 0 : i32
        %get3A_381 = tpu.memref_slice %run_scoped3A[%rem3A_255, %get3A_379, %get3A_380] : memref<2x1x128xi32, #tpu.memory_space<vmem>> -> memref<1x1x128xi32, #tpu.memory_space<vmem>>
        %get3A_382 = tpu.memref_squeeze %get3A_381 : memref<1x1x128xi32, #tpu.memory_space<vmem>> -> memref<1x128xi32, #tpu.memory_space<vmem>>
        %get3A_383 = arith.constant 0 : i32
        %get3A_384 = tpu.memref_slice %get3A_382[%get3A_378, %get3A_383] : memref<1x128xi32, #tpu.memory_space<vmem>> -> memref<1x128xi32, #tpu.memory_space<vmem>>
        %get3A_385 = tpu.memref_squeeze %get3A_384 : memref<1x128xi32, #tpu.memory_space<vmem>> -> memref<128xi32, #tpu.memory_space<vmem>>
        %get3A_386 = arith.constant 64 : index
        %get3A_387 = tpu.vector_load %get3A_385[%get3A_386] {strides = array<i32>} : memref<128xi32, #tpu.memory_space<vmem>>, vector<16xi32>,
        %get3A_388 = vector.shape_cast %get3A_387 : vector<16xi32> to vector<16xi32>
        %mul3A_389 = arith.constant 64 : i32
        %mul3A_390 = vector.broadcast %mul3A_389 : i32 to vector<16xi32>
        %mul3A_391 = arith.muli %get3A_388, %mul3A_390 : vector<16xi32>
        %get3A_392 = arith.constant 0 : i32
        %get3A_393 = arith.constant 0 : i32
        %get3A_394 = arith.constant 0 : i32
        %get3A_395 = tpu.memref_slice %run_scoped3A_14[%rem3A_257, %get3A_393, %get3A_394] : memref<2x1x128xi32, #tpu.memory_space<vmem>> -> memref<1x1x128xi32, #tpu.memory_space<vmem>>
        %get3A_396 = tpu.memref_squeeze %get3A_395 : memref<1x1x128xi32, #tpu.memory_space<vmem>> -> memref<1x128xi32, #tpu.memory_space<vmem>>
        %get3A_397 = arith.constant 0 : i32
        %get3A_398 = tpu.memref_slice %get3A_396[%get3A_392, %get3A_397] : memref<1x128xi32, #tpu.memory_space<vmem>> -> memref<1x128xi32, #tpu.memory_space<vmem>>
        %get3A_399 = tpu.memref_squeeze %get3A_398 : memref<1x128xi32, #tpu.memory_space<vmem>> -> memref<128xi32, #tpu.memory_space<vmem>>
        %get3A_400 = arith.constant 64 : index
        %get3A_401 = tpu.vector_load %get3A_399[%get3A_400] {strides = array<i32>} : memref<128xi32, #tpu.memory_space<vmem>>, vector<16xi32>,
        %get3A_402 = vector.shape_cast %get3A_401 : vector<16xi32> to vector<16xi32>
        %add3A_403 = arith.addi %mul3A_391, %get3A_402 : vector<16xi32>
        %swap3A_404 = arith.constant 64 : index
        %swap3A_405 = tpu.vector_load %arg7[%swap3A_404] {strides = array<i32>} : memref<128xi32, #tpu.memory_space<vmem>>, vector<16xi32>,
        %swap3A_406 = vector.shape_cast %swap3A_405 : vector<16xi32> to vector<16xi32>
        %swap3A_407 = vector.shape_cast %add3A_403 : vector<16xi32> to vector<16xi32>
        tpu.vector_store %arg7[%swap3A_404], %swap3A_407 {strides = array<i32>} : memref<128xi32, #tpu.memory_space<vmem>>, vector<16xi32>,
        %get3A_408 = arith.constant 0 : i32
        %get3A_409 = arith.constant 0 : i32
        %get3A_410 = arith.constant 0 : i32
        %get3A_411 = tpu.memref_slice %run_scoped3A[%rem3A_255, %get3A_409, %get3A_410] : memref<2x1x128xi32, #tpu.memory_space<vmem>> -> memref<1x1x128xi32, #tpu.memory_space<vmem>>
        %get3A_412 = tpu.memref_squeeze %get3A_411 : memref<1x1x128xi32, #tpu.memory_space<vmem>> -> memref<1x128xi32, #tpu.memory_space<vmem>>
        %get3A_413 = arith.constant 0 : i32
        %get3A_414 = tpu.memref_slice %get3A_412[%get3A_408, %get3A_413] : memref<1x128xi32, #tpu.memory_space<vmem>> -> memref<1x128xi32, #tpu.memory_space<vmem>>
        %get3A_415 = tpu.memref_squeeze %get3A_414 : memref<1x128xi32, #tpu.memory_space<vmem>> -> memref<128xi32, #tpu.memory_space<vmem>>
        %get3A_416 = arith.constant 80 : index
        %get3A_417 = tpu.vector_load %get3A_415[%get3A_416] {strides = array<i32>} : memref<128xi32, #tpu.memory_space<vmem>>, vector<16xi32>,
        %get3A_418 = vector.shape_cast %get3A_417 : vector<16xi32> to vector<16xi32>
        %mul3A_419 = arith.constant 64 : i32
        %mul3A_420 = vector.broadcast %mul3A_419 : i32 to vector<16xi32>
        %mul3A_421 = arith.muli %get3A_418, %mul3A_420 : vector<16xi32>
        %get3A_422 = arith.constant 0 : i32
        %get3A_423 = arith.constant 0 : i32
        %get3A_424 = arith.constant 0 : i32
        %get3A_425 = tpu.memref_slice %run_scoped3A_14[%rem3A_257, %get3A_423, %get3A_424] : memref<2x1x128xi32, #tpu.memory_space<vmem>> -> memref<1x1x128xi32, #tpu.memory_space<vmem>>
        %get3A_426 = tpu.memref_squeeze %get3A_425 : memref<1x1x128xi32, #tpu.memory_space<vmem>> -> memref<1x128xi32, #tpu.memory_space<vmem>>
        %get3A_427 = arith.constant 0 : i32
        %get3A_428 = tpu.memref_slice %get3A_426[%get3A_422, %get3A_427] : memref<1x128xi32, #tpu.memory_space<vmem>> -> memref<1x128xi32, #tpu.memory_space<vmem>>
        %get3A_429 = tpu.memref_squeeze %get3A_428 : memref<1x128xi32, #tpu.memory_space<vmem>> -> memref<128xi32, #tpu.memory_space<vmem>>
        %get3A_430 = arith.constant 80 : index
        %get3A_431 = tpu.vector_load %get3A_429[%get3A_430] {strides = array<i32>} : memref<128xi32, #tpu.memory_space<vmem>>, vector<16xi32>,
        %get3A_432 = vector.shape_cast %get3A_431 : vector<16xi32> to vector<16xi32>
        %add3A_433 = arith.addi %mul3A_421, %get3A_432 : vector<16xi32>
        %swap3A_434 = arith.constant 80 : index
        %swap3A_435 = tpu.vector_load %arg7[%swap3A_434] {strides = array<i32>} : memref<128xi32, #tpu.memory_space<vmem>>, vector<16xi32>,
        %swap3A_436 = vector.shape_cast %swap3A_435 : vector<16xi32> to vector<16xi32>
        %swap3A_437 = vector.shape_cast %add3A_433 : vector<16xi32> to vector<16xi32>
        tpu.vector_store %arg7[%swap3A_434], %swap3A_437 {strides = array<i32>} : memref<128xi32, #tpu.memory_space<vmem>>, vector<16xi32>,
        %get3A_438 = arith.constant 0 : i32
        %get3A_439 = arith.constant 0 : i32
        %get3A_440 = arith.constant 0 : i32
        %get3A_441 = tpu.memref_slice %run_scoped3A[%rem3A_255, %get3A_439, %get3A_440] : memref<2x1x128xi32, #tpu.memory_space<vmem>> -> memref<1x1x128xi32, #tpu.memory_space<vmem>>
        %get3A_442 = tpu.memref_squeeze %get3A_441 : memref<1x1x128xi32, #tpu.memory_space<vmem>> -> memref<1x128xi32, #tpu.memory_space<vmem>>
        %get3A_443 = arith.constant 0 : i32
        %get3A_444 = tpu.memref_slice %get3A_442[%get3A_438, %get3A_443] : memref<1x128xi32, #tpu.memory_space<vmem>> -> memref<1x128xi32, #tpu.memory_space<vmem>>
        %get3A_445 = tpu.memref_squeeze %get3A_444 : memref<1x128xi32, #tpu.memory_space<vmem>> -> memref<128xi32, #tpu.memory_space<vmem>>
        %get3A_446 = arith.constant 96 : index
        %get3A_447 = tpu.vector_load %get3A_445[%get3A_446] {strides = array<i32>} : memref<128xi32, #tpu.memory_space<vmem>>, vector<16xi32>,
        %get3A_448 = vector.shape_cast %get3A_447 : vector<16xi32> to vector<16xi32>
        %mul3A_449 = arith.constant 64 : i32
        %mul3A_450 = vector.broadcast %mul3A_449 : i32 to vector<16xi32>
        %mul3A_451 = arith.muli %get3A_448, %mul3A_450 : vector<16xi32>
        %get3A_452 = arith.constant 0 : i32
        %get3A_453 = arith.constant 0 : i32
        %get3A_454 = arith.constant 0 : i32
        %get3A_455 = tpu.memref_slice %run_scoped3A_14[%rem3A_257, %get3A_453, %get3A_454] : memref<2x1x128xi32, #tpu.memory_space<vmem>> -> memref<1x1x128xi32, #tpu.memory_space<vmem>>
        %get3A_456 = tpu.memref_squeeze %get3A_455 : memref<1x1x128xi32, #tpu.memory_space<vmem>> -> memref<1x128xi32, #tpu.memory_space<vmem>>
        %get3A_457 = arith.constant 0 : i32
        %get3A_458 = tpu.memref_slice %get3A_456[%get3A_452, %get3A_457] : memref<1x128xi32, #tpu.memory_space<vmem>> -> memref<1x128xi32, #tpu.memory_space<vmem>>
        %get3A_459 = tpu.memref_squeeze %get3A_458 : memref<1x128xi32, #tpu.memory_space<vmem>> -> memref<128xi32, #tpu.memory_space<vmem>>
        %get3A_460 = arith.constant 96 : index
        %get3A_461 = tpu.vector_load %get3A_459[%get3A_460] {strides = array<i32>} : memref<128xi32, #tpu.memory_space<vmem>>, vector<16xi32>,
        %get3A_462 = vector.shape_cast %get3A_461 : vector<16xi32> to vector<16xi32>
        %add3A_463 = arith.addi %mul3A_451, %get3A_462 : vector<16xi32>
        %swap3A_464 = arith.constant 96 : index
        %swap3A_465 = tpu.vector_load %arg7[%swap3A_464] {strides = array<i32>} : memref<128xi32, #tpu.memory_space<vmem>>, vector<16xi32>,
        %swap3A_466 = vector.shape_cast %swap3A_465 : vector<16xi32> to vector<16xi32>
        %swap3A_467 = vector.shape_cast %add3A_463 : vector<16xi32> to vector<16xi32>
        tpu.vector_store %arg7[%swap3A_464], %swap3A_467 {strides = array<i32>} : memref<128xi32, #tpu.memory_space<vmem>>, vector<16xi32>,
        %get3A_468 = arith.constant 0 : i32
        %get3A_469 = arith.constant 0 : i32
        %get3A_470 = arith.constant 0 : i32
        %get3A_471 = tpu.memref_slice %run_scoped3A[%rem3A_255, %get3A_469, %get3A_470] : memref<2x1x128xi32, #tpu.memory_space<vmem>> -> memref<1x1x128xi32, #tpu.memory_space<vmem>>
        %get3A_472 = tpu.memref_squeeze %get3A_471 : memref<1x1x128xi32, #tpu.memory_space<vmem>> -> memref<1x128xi32, #tpu.memory_space<vmem>>
        %get3A_473 = arith.constant 0 : i32
        %get3A_474 = tpu.memref_slice %get3A_472[%get3A_468, %get3A_473] : memref<1x128xi32, #tpu.memory_space<vmem>> -> memref<1x128xi32, #tpu.memory_space<vmem>>
        %get3A_475 = tpu.memref_squeeze %get3A_474 : memref<1x128xi32, #tpu.memory_space<vmem>> -> memref<128xi32, #tpu.memory_space<vmem>>
        %get3A_476 = arith.constant 112 : index
        %get3A_477 = tpu.vector_load %get3A_475[%get3A_476] {strides = array<i32>} : memref<128xi32, #tpu.memory_space<vmem>>, vector<16xi32>,
        %get3A_478 = vector.shape_cast %get3A_477 : vector<16xi32> to vector<16xi32>
        %mul3A_479 = arith.constant 64 : i32
        %mul3A_480 = vector.broadcast %mul3A_479 : i32 to vector<16xi32>
        %mul3A_481 = arith.muli %get3A_478, %mul3A_480 : vector<16xi32>
        %get3A_482 = arith.constant 0 : i32
        %get3A_483 = arith.constant 0 : i32
        %get3A_484 = arith.constant 0 : i32
        %get3A_485 = tpu.memref_slice %run_scoped3A_14[%rem3A_257, %get3A_483, %get3A_484] : memref<2x1x128xi32, #tpu.memory_space<vmem>> -> memref<1x1x128xi32, #tpu.memory_space<vmem>>
        %get3A_486 = tpu.memref_squeeze %get3A_485 : memref<1x1x128xi32, #tpu.memory_space<vmem>> -> memref<1x128xi32, #tpu.memory_space<vmem>>
        %get3A_487 = arith.constant 0 : i32
        %get3A_488 = tpu.memref_slice %get3A_486[%get3A_482, %get3A_487] : memref<1x128xi32, #tpu.memory_space<vmem>> -> memref<1x128xi32, #tpu.memory_space<vmem>>
        %get3A_489 = tpu.memref_squeeze %get3A_488 : memref<1x128xi32, #tpu.memory_space<vmem>> -> memref<128xi32, #tpu.memory_space<vmem>>
        %get3A_490 = arith.constant 112 : index
        %get3A_491 = tpu.vector_load %get3A_489[%get3A_490] {strides = array<i32>} : memref<128xi32, #tpu.memory_space<vmem>>, vector<16xi32>,
        %get3A_492 = vector.shape_cast %get3A_491 : vector<16xi32> to vector<16xi32>
        %add3A_493 = arith.addi %mul3A_481, %get3A_492 : vector<16xi32>
        %swap3A_494 = arith.constant 112 : index
        %swap3A_495 = tpu.vector_load %arg7[%swap3A_494] {strides = array<i32>} : memref<128xi32, #tpu.memory_space<vmem>>, vector<16xi32>,
        %swap3A_496 = vector.shape_cast %swap3A_495 : vector<16xi32> to vector<16xi32>
        %swap3A_497 = vector.shape_cast %add3A_493 : vector<16xi32> to vector<16xi32>
        tpu.vector_store %arg7[%swap3A_494], %swap3A_497 {strides = array<i32>} : memref<128xi32, #tpu.memory_space<vmem>>, vector<16xi32>,
        "tpu.region"() ({
          %run_scoped3A_590 = tpu.sem_alloc : memref<!tpu.dma_semaphore, #tpu.memory_space<semaphore_mem>>
          %dma_start3A_591 = arith.constant 0 : i32
          %dma_start3A_592 = arith.constant 0 : i32
          %dma_start3A_593 = tpu.memref_slice %run_scoped3A_16[%rem3A_259, %dma_start3A_591, %dma_start3A_592] : memref<2x128x128xf32, #tpu.memory_space<vmem>> -> memref<1x128x128xf32, #tpu.memory_space<vmem>>
          %dma_start3A_594 = tpu.memref_squeeze %dma_start3A_593 : memref<1x128x128xf32, #tpu.memory_space<vmem>> -> memref<128x128xf32, #tpu.memory_space<vmem>>
          %dma_start3A_595 = arith.constant 0 : i32
          %dma_start3A_596 = arith.constant 0 : i32
          %dma_start3A_597 = tpu.memref_slice %arg11[%dma_start3A_595, %dma_start3A_596] : memref<4608x128xf32, #tpu.memory_space<vmem_shared>> -> memref<4608x128xf32, #tpu.memory_space<vmem_shared>>
          tpu.enqueue_indirect_dma source(%dma_start3A_597 : memref<4608x128xf32, #tpu.memory_space<vmem_shared>>) target(%dma_start3A_594 : memref<128x128xf32, #tpu.memory_space<vmem>>) offsets(%arg7 : memref<128xi32, #tpu.memory_space<vmem>>) semaphore(%run_scoped3A_590 : memref<!tpu.dma_semaphore, #tpu.memory_space<semaphore_mem>>)
          %dma_wait3A_598 = arith.constant 0 : i32
          %dma_wait3A_599 = arith.constant 0 : i32
          %dma_wait3A_600 = tpu.memref_slice %run_scoped3A_16[%rem3A_259, %dma_wait3A_598, %dma_wait3A_599] : memref<2x128x128xf32, #tpu.memory_space<vmem>> -> memref<1x128x128xf32, #tpu.memory_space<vmem>>
          %dma_wait3A_601 = tpu.memref_squeeze %dma_wait3A_600 : memref<1x128x128xf32, #tpu.memory_space<vmem>> -> memref<128x128xf32, #tpu.memory_space<vmem>>
          %dma_wait3A_602 = arith.constant 0 : i32
          %dma_wait3A_603 = arith.constant 0 : i32
          %dma_wait3A_604 = tpu.memref_slice %arg11[%dma_wait3A_602, %dma_wait3A_603] : memref<4608x128xf32, #tpu.memory_space<vmem_shared>> -> memref<4608x128xf32, #tpu.memory_space<vmem_shared>>
          tpu.wait_indirect_dma semaphore(%run_scoped3A_590 : memref<!tpu.dma_semaphore, #tpu.memory_space<semaphore_mem>>) src(%dma_wait3A_604 : memref<4608x128xf32, #tpu.memory_space<vmem_shared>>) dst(%dma_wait3A_601 : memref<128x128xf32, #tpu.memory_space<vmem>>)
          tpu.yield
        }) : () -> ()
        "tpu.trace_stop"() : () -> ()
        %ne3A_498 = arith.cmpi ne, %add3A_168, %add3A_186 : i32
        %or3A_499 = arith.constant false
        %or3A_500 = arith.ori %or3A_499, %ne3A_498 : i1
        %or3A_501 = arith.ori %or3A_500, %eq3A_167 : i1
        %convert_element_type3A_502 = arith.extui %or3A_501 : i1 to i32
        %cond3A_503 = arith.constant 0 : i32
        %cond3A_504 = arith.cmpi ne, %convert_element_type3A_502, %cond3A_503 : i32
        scf.if %cond3A_504 {
        } else {
        }
        %and3A_505 = arith.constant false
        %and3A_506 = arith.andi %or3A_501, %and3A_505 : i1
        %ne3A_507 = arith.cmpi ne, %add3A_168, %add3A_186 : i32
        %or3A_508 = arith.constant false
        %or3A_509 = arith.ori %or3A_508, %ne3A_507 : i1
        %or3A_510 = arith.ori %or3A_509, %eq3A_167 : i1
        %convert_element_type3A_511 = arith.extui %or3A_510 : i1 to i32
        %cond3A_512 = arith.constant 0 : i32
        %cond3A_513 = arith.cmpi ne, %convert_element_type3A_511, %cond3A_512 : i32
        scf.if %cond3A_513 {
        } else {
        }
        %and3A_514 = arith.constant false
        %and3A_515 = arith.andi %or3A_510, %and3A_514 : i1
        %ne3A_516 = arith.cmpi ne, %add3A_168, %add3A_186 : i32
        %or3A_517 = arith.constant false
        %or3A_518 = arith.ori %or3A_517, %ne3A_516 : i1
        %or3A_519 = arith.constant false
        %or3A_520 = arith.ori %or3A_518, %or3A_519 : i1
        %or3A_521 = arith.ori %or3A_520, %eq3A_167 : i1
        %convert_element_type3A_522 = arith.extui %or3A_521 : i1 to i32
        %cond3A_523 = arith.constant 0 : i32
        %cond3A_524 = arith.cmpi ne, %convert_element_type3A_522, %cond3A_523 : i32
        scf.if %cond3A_524 {
          "tpu.trace_start"() <{level = 10 : i32, message = "ep_copy_out"}> : () -> ()
          %rem3A_590 = arith.constant 2 : i32
          %rem3A_591 = arith.remui %scan3A_161, %rem3A_590 : i32
          %mul3A_592 = arith.constant 128 : i32
          %mul3A_593 = arith.muli %mul3A_592, %add3A_168 : i32
          %dma_start3A_594 = arith.constant 0 : i32
          %dma_start3A_595 = arith.constant 0 : i32
          %dma_start3A_596 = tpu.memref_slice %run_scoped3A_16[%rem3A_591, %dma_start3A_594, %dma_start3A_595] : memref<2x128x128xf32, #tpu.memory_space<vmem>> -> memref<1x128x128xf32, #tpu.memory_space<vmem>>
          %dma_start3A_597 = tpu.memref_squeeze %dma_start3A_596 : memref<1x128x128xf32, #tpu.memory_space<vmem>> -> memref<128x128xf32, #tpu.memory_space<vmem>>
          %dma_start3A_598 = arith.constant 0 : i32
          %dma_start3A_599 = tpu.memref_slice %arg6[%mul3A_593, %dma_start3A_598] : memref<3276800x128xf32, #tpu.memory_space<hbm>> -> memref<128x128xf32, #tpu.memory_space<hbm>>
          %dma_start3A_600 = tpu.memref_slice %run_scoped3A_17[%rem3A_591] : memref<2x!tpu.dma_semaphore, #tpu.memory_space<semaphore_mem>> -> memref<1x!tpu.dma_semaphore, #tpu.memory_space<semaphore_mem>>
          %dma_start3A_601 = tpu.memref_squeeze %dma_start3A_600 : memref<1x!tpu.dma_semaphore, #tpu.memory_space<semaphore_mem>> -> memref<!tpu.dma_semaphore, #tpu.memory_space<semaphore_mem>>
          %dma_start3A_602 = arith.constant 0 : i32
          %dma_start3A_603 = tpu.memref_slice %arg6[%mul3A_593, %dma_start3A_602] : memref<3276800x128xf32, #tpu.memory_space<hbm>> -> memref<128x128xf32, #tpu.memory_space<hbm>>
          %dma_start3A_604 = arith.constant 0 : i32
          %dma_start3A_605 = arith.constant 0 : i32
          %dma_start3A_606 = tpu.memref_slice %run_scoped3A_16[%rem3A_591, %dma_start3A_604, %dma_start3A_605] : memref<2x128x128xf32, #tpu.memory_space<vmem>> -> memref<1x128x128xf32, #tpu.memory_space<vmem>>
          %dma_start3A_607 = tpu.memref_squeeze %dma_start3A_606 : memref<1x128x128xf32, #tpu.memory_space<vmem>> -> memref<128x128xf32, #tpu.memory_space<vmem>>
          tpu.enqueue_dma source(%dma_start3A_607 : memref<128x128xf32, #tpu.memory_space<vmem>>) target(%dma_start3A_603 : memref<128x128xf32, #tpu.memory_space<hbm>>) target_semaphore(%dma_start3A_601 : memref<!tpu.dma_semaphore, #tpu.memory_space<semaphore_mem>>)
          "tpu.trace_stop"() : () -> ()
        } else {
        }
        %and3A_525 = arith.constant true
        %and3A_526 = arith.andi %or3A_521, %and3A_525 : i1
        %add3A_527 = arith.constant 1 : i32
        %add3A_528 = arith.addi %scan3A_161, %add3A_527 : i32
        %select_n3A_529 = arith.select %and3A_526, %add3A_528, %scan3A_161 : i32
        %ne3A_530 = arith.cmpi ne, %add3A_168, %add3A_177 : i32
        %or3A_531 = arith.constant false
        %or3A_532 = arith.ori %or3A_531, %ne3A_530 : i1
        %not3A_533 = arith.constant true
        %not3A_534 = arith.xori %eq3A_165, %not3A_533 : i1
        %and3A_535 = arith.andi %or3A_532, %not3A_534 : i1
        %convert_element_type3A_536 = arith.extui %and3A_535 : i1 to i32
        %cond3A_537 = arith.constant 0 : i32
        %cond3A_538 = arith.cmpi ne, %convert_element_type3A_536, %cond3A_537 : i32
        scf.if %cond3A_538 {
        } else {
        }
        %and3A_539 = arith.constant false
        %and3A_540 = arith.andi %and3A_535, %and3A_539 : i1
        %ne3A_541 = arith.cmpi ne, %add3A_168, %add3A_177 : i32
        %or3A_542 = arith.constant false
        %or3A_543 = arith.ori %or3A_542, %ne3A_541 : i1
        %not3A_544 = arith.constant true
        %not3A_545 = arith.xori %eq3A_165, %not3A_544 : i1
        %and3A_546 = arith.andi %or3A_543, %not3A_545 : i1
        %convert_element_type3A_547 = arith.extui %and3A_546 : i1 to i32
        %cond3A_548 = arith.constant 0 : i32
        %cond3A_549 = arith.cmpi ne, %convert_element_type3A_547, %cond3A_548 : i32
        scf.if %cond3A_549 {
        } else {
        }
        %and3A_550 = arith.constant false
        %and3A_551 = arith.andi %and3A_546, %and3A_550 : i1
        %ne3A_552 = arith.cmpi ne, %add3A_168, %add3A_177 : i32
        %or3A_553 = arith.constant false
        %or3A_554 = arith.ori %or3A_553, %ne3A_552 : i1
        %or3A_555 = arith.constant false
        %or3A_556 = arith.ori %or3A_554, %or3A_555 : i1
        %not3A_557 = arith.constant true
        %not3A_558 = arith.xori %eq3A_165, %not3A_557 : i1
        %and3A_559 = arith.andi %or3A_556, %not3A_558 : i1
        %convert_element_type3A_560 = arith.extui %and3A_559 : i1 to i32
        %cond3A_561 = arith.constant 0 : i32
        %cond3A_562 = arith.cmpi ne, %convert_element_type3A_560, %cond3A_561 : i32
        scf.if %cond3A_562 {
          "tpu.trace_start"() <{level = 10 : i32, message = "ep_wait_out"}> : () -> ()
          %rem3A_590 = arith.constant 2 : i32
          %rem3A_591 = arith.remui %scan3A_162, %rem3A_590 : i32
          %mul3A_592 = arith.constant 128 : i32
          %mul3A_593 = arith.muli %mul3A_592, %add3A_177 : i32
          %dma_wait3A_594 = arith.constant 0 : i32
          %dma_wait3A_595 = arith.constant 0 : i32
          %dma_wait3A_596 = tpu.memref_slice %run_scoped3A_16[%rem3A_591, %dma_wait3A_594, %dma_wait3A_595] : memref<2x128x128xf32, #tpu.memory_space<vmem>> -> memref<1x128x128xf32, #tpu.memory_space<vmem>>
          %dma_wait3A_597 = tpu.memref_squeeze %dma_wait3A_596 : memref<1x128x128xf32, #tpu.memory_space<vmem>> -> memref<128x128xf32, #tpu.memory_space<vmem>>
          %dma_wait3A_598 = arith.constant 0 : i32
          %dma_wait3A_599 = tpu.memref_slice %arg6[%mul3A_593, %dma_wait3A_598] : memref<3276800x128xf32, #tpu.memory_space<hbm>> -> memref<128x128xf32, #tpu.memory_space<hbm>>
          %dma_wait3A_600 = tpu.memref_slice %run_scoped3A_17[%rem3A_591] : memref<2x!tpu.dma_semaphore, #tpu.memory_space<semaphore_mem>> -> memref<1x!tpu.dma_semaphore, #tpu.memory_space<semaphore_mem>>
          %dma_wait3A_601 = tpu.memref_squeeze %dma_wait3A_600 : memref<1x!tpu.dma_semaphore, #tpu.memory_space<semaphore_mem>> -> memref<!tpu.dma_semaphore, #tpu.memory_space<semaphore_mem>>
          %dma_wait3A_602 = arith.constant 0 : i32
          %dma_wait3A_603 = tpu.memref_slice %arg6[%mul3A_593, %dma_wait3A_602] : memref<3276800x128xf32, #tpu.memory_space<hbm>> -> memref<128x128xf32, #tpu.memory_space<hbm>>
          %dma_wait3A_604 = arith.constant 0 : i32
          %dma_wait3A_605 = arith.constant 0 : i32
          %dma_wait3A_606 = tpu.memref_slice %run_scoped3A_16[%rem3A_591, %dma_wait3A_604, %dma_wait3A_605] : memref<2x128x128xf32, #tpu.memory_space<vmem>> -> memref<1x128x128xf32, #tpu.memory_space<vmem>>
          %dma_wait3A_607 = tpu.memref_squeeze %dma_wait3A_606 : memref<1x128x128xf32, #tpu.memory_space<vmem>> -> memref<128x128xf32, #tpu.memory_space<vmem>>
          tpu.wait_dma2 semaphore(%dma_wait3A_601 : memref<!tpu.dma_semaphore, #tpu.memory_space<semaphore_mem>>) src(%dma_wait3A_607 : memref<128x128xf32, #tpu.memory_space<vmem>>) dst(%dma_wait3A_603 : memref<128x128xf32, #tpu.memory_space<hbm>>)
          "tpu.trace_stop"() : () -> ()
        } else {
        }
        %and3A_563 = arith.constant true
        %and3A_564 = arith.andi %and3A_559, %and3A_563 : i1
        %add3A_565 = arith.constant 1 : i32
        %add3A_566 = arith.addi %scan3A_162, %add3A_565 : i32
        %select_n3A_567 = arith.select %and3A_564, %add3A_566, %scan3A_162 : i32
        %ne3A_568 = arith.cmpi ne, %add3A_168, %add3A_186 : i32
        %or3A_569 = arith.constant false
        %or3A_570 = arith.ori %or3A_569, %ne3A_568 : i1
        %or3A_571 = arith.ori %or3A_570, %eq3A_167 : i1
        %add3A_572 = arith.constant 1 : i32
        %add3A_573 = arith.addi %scan3A_158, %add3A_572 : i32
        %select_n3A_574 = arith.select %or3A_571, %add3A_573, %scan3A_158 : i32
        %ne3A_575 = arith.cmpi ne, %add3A_168, %add3A_186 : i32
        %or3A_576 = arith.constant false
        %or3A_577 = arith.ori %or3A_576, %ne3A_575 : i1
        %or3A_578 = arith.ori %or3A_577, %eq3A_167 : i1
        %add3A_579 = arith.constant 1 : i32
        %add3A_580 = arith.addi %scan3A_160, %add3A_579 : i32
        %select_n3A_581 = arith.select %or3A_578, %add3A_580, %scan3A_160 : i32
        %add3A_582 = arith.constant 1 : i32
        %add3A_583 = arith.addi %scan3A_163, %add3A_582 : i32
        %select_n3A_584 = arith.constant true
        %select_n3A_585 = arith.select %select_n3A_584, %add3A_583, %scan3A_163 : i32
        %eq3A_586 = arith.constant 800 : i32
        %eq3A_587 = arith.cmpi eq, %select_n3A_585, %eq3A_586 : i32
        %select_n3A_588 = arith.constant 0 : i32
        %select_n3A_589 = arith.select %eq3A_587, %select_n3A_588, %select_n3A_585 : i32
        scf.yield %select_n3A_204, %select_n3A_574, %select_n3A_220, %select_n3A_581, %select_n3A_529, %select_n3A_567, %select_n3A_589 : i32, i32, i32, i32, i32, i32, i32
      }
      %scan3A_103 = arith.constant 800 : i32
      %sub3A = arith.constant 1 : i32
      %sub3A_104 = arith.subi %scan3A_102#6, %sub3A : i32
      %select_n3A_105 = arith.constant true
      %select_n3A_106 = arith.select %select_n3A_105, %sub3A_104, %scan3A_102#6 : i32
      %eq3A_107 = arith.constant -1 : i32
      %eq3A_108 = arith.cmpi eq, %select_n3A_106, %eq3A_107 : i32
      %select_n3A_109 = arith.constant 799 : i32
      %select_n3A_110 = arith.select %eq3A_108, %select_n3A_109, %select_n3A_106 : i32
      %add3A_111 = arith.addi %select_n3A_110, %mul3A_12 : i32
      %sub3A_112 = arith.constant 1 : i32
      %sub3A_113 = arith.subi %select_n3A_110, %sub3A_112 : i32
      %select_n3A_114 = arith.constant true
      %select_n3A_115 = arith.select %select_n3A_114, %sub3A_113, %select_n3A_110 : i32
      %eq3A_116 = arith.constant -1 : i32
      %eq3A_117 = arith.cmpi eq, %select_n3A_115, %eq3A_116 : i32
      %select_n3A_118 = arith.constant 799 : i32
      %select_n3A_119 = arith.select %eq3A_117, %select_n3A_118, %select_n3A_115 : i32
      %add3A_120 = arith.addi %select_n3A_119, %mul3A_12 : i32
      %add3A_121 = arith.constant 1 : i32
      %add3A_122 = arith.addi %select_n3A_110, %add3A_121 : i32
      %select_n3A_123 = arith.constant true
      %select_n3A_124 = arith.select %select_n3A_123, %add3A_122, %select_n3A_110 : i32
      %eq3A_125 = arith.constant 800 : i32
      %eq3A_126 = arith.cmpi eq, %select_n3A_124, %eq3A_125 : i32
      %select_n3A_127 = arith.constant 0 : i32
      %select_n3A_128 = arith.select %eq3A_126, %select_n3A_127, %select_n3A_124 : i32
      %add3A_129 = arith.addi %select_n3A_128, %mul3A_12 : i32
      %add3A_130 = arith.constant 1 : i32
      %add3A_131 = arith.addi %select_n3A_128, %add3A_130 : i32
      %select_n3A_132 = arith.constant true
      %select_n3A_133 = arith.select %select_n3A_132, %add3A_131, %select_n3A_128 : i32
      %eq3A_134 = arith.constant 800 : i32
      %eq3A_135 = arith.cmpi eq, %select_n3A_133, %eq3A_134 : i32
      %select_n3A_136 = arith.constant 0 : i32
      %select_n3A_137 = arith.select %eq3A_135, %select_n3A_136, %select_n3A_133 : i32
      %add3A_138 = arith.addi %select_n3A_137, %mul3A_12 : i32
      "tpu.trace_start"() <{level = 10 : i32, message = "ep_finalize"}> : () -> ()
      %rem3A_139 = arith.constant 2 : i32
      %rem3A_140 = arith.remui %scan3A_102#5, %rem3A_139 : i32
      %mul3A_141 = arith.constant 128 : i32
      %mul3A_142 = arith.muli %mul3A_141, %add3A_111 : i32
      %dma_wait3A = arith.constant 0 : i32
      %dma_wait3A_143 = arith.constant 0 : i32
      %dma_wait3A_144 = tpu.memref_slice %run_scoped3A_16[%rem3A_140, %dma_wait3A, %dma_wait3A_143] : memref<2x128x128xf32, #tpu.memory_space<vmem>> -> memref<1x128x128xf32, #tpu.memory_space<vmem>>
      %dma_wait3A_145 = tpu.memref_squeeze %dma_wait3A_144 : memref<1x128x128xf32, #tpu.memory_space<vmem>> -> memref<128x128xf32, #tpu.memory_space<vmem>>
      %dma_wait3A_146 = arith.constant 0 : i32
      %dma_wait3A_147 = tpu.memref_slice %arg6[%mul3A_142, %dma_wait3A_146] : memref<3276800x128xf32, #tpu.memory_space<hbm>> -> memref<128x128xf32, #tpu.memory_space<hbm>>
      %dma_wait3A_148 = tpu.memref_slice %run_scoped3A_17[%rem3A_140] : memref<2x!tpu.dma_semaphore, #tpu.memory_space<semaphore_mem>> -> memref<1x!tpu.dma_semaphore, #tpu.memory_space<semaphore_mem>>
      %dma_wait3A_149 = tpu.memref_squeeze %dma_wait3A_148 : memref<1x!tpu.dma_semaphore, #tpu.memory_space<semaphore_mem>> -> memref<!tpu.dma_semaphore, #tpu.memory_space<semaphore_mem>>
      %dma_wait3A_150 = arith.constant 0 : i32
      %dma_wait3A_151 = tpu.memref_slice %arg6[%mul3A_142, %dma_wait3A_150] : memref<3276800x128xf32, #tpu.memory_space<hbm>> -> memref<128x128xf32, #tpu.memory_space<hbm>>
      %dma_wait3A_152 = arith.constant 0 : i32
      %dma_wait3A_153 = arith.constant 0 : i32
      %dma_wait3A_154 = tpu.memref_slice %run_scoped3A_16[%rem3A_140, %dma_wait3A_152, %dma_wait3A_153] : memref<2x128x128xf32, #tpu.memory_space<vmem>> -> memref<1x128x128xf32, #tpu.memory_space<vmem>>
      %dma_wait3A_155 = tpu.memref_squeeze %dma_wait3A_154 : memref<1x128x128xf32, #tpu.memory_space<vmem>> -> memref<128x128xf32, #tpu.memory_space<vmem>>
      tpu.wait_dma2 semaphore(%dma_wait3A_149 : memref<!tpu.dma_semaphore, #tpu.memory_space<semaphore_mem>>) src(%dma_wait3A_155 : memref<128x128xf32, #tpu.memory_space<vmem>>) dst(%dma_wait3A_151 : memref<128x128xf32, #tpu.memory_space<hbm>>)
      "tpu.trace_stop"() : () -> ()
      tpu.yield
    }) : () -> ()
    return
  }
}

</mosaic_0001>

<sc_bundles>
// kernel: kernel.3.cloned.1.call-start
scs
__scs_entry_jumppad:
0x0: {  	(pc) =	sbr.rel $0x88, $3  }
0x1: {  	(tag) =	ssettag $0x0;
	lr =	simm.s32 $0x1  }
0x2: {  	[smem:$0x3F9E] =	sst lr;
	_ =	strace $0xD0000000  }
0x3: {  	_ = 	snop  }
0x4: {  	_ = 	snop  }
0x5: {  	_ = 	snop  }
0x6: {  	_ = 	snop  }
0x7: {  	_ = 	snop  }
__scs_overlays_trampoline_lowered:
0x8: {  	[smem:$0x3FAD] =	sst s0  }
0x9: {  	[smem:$0x3FAE] =	sst s1  }
0xa: {  	[smem:$0x3FAF] =	sst s2  }
0xb: {  	[smem:$0x3FB0] =	sst s3  }
0xc: {  	[smem:$0x3FB1] =	sst s4  }
0xd: {  	[smem:$0x3FB2] =	sst s5  }
0xe: {  	[smem:$0x3FB3] =	sst s6  }
0xf: {  	[smem:$0x3FB4] =	sst s7  }
0x10: {  	[smem:$0x3FB5] =	sst s8  }
0x11: {  	[smem:$0x3FB6] =	sst s9;
	s0 =	simm.s32 @!p0 $0x0  }
0x12: {  	s1 =	sld [smem:$0x3F9C];
	s0 =	simm.s32 @p0 $0x1  }
0x13: {  	[smem:$0x3FB7] =	sst s0;
	s0 =	simm.s32 @!p1 $0x0  }
0x14: {  	s2 =	sld [smem:$0x3F9B];
	s0 =	simm.s32 @p1 $0x1  }
0x15: {  	[smem:$0x3FB8] =	sst s0;
	s0 =	simm.s32 @!p2 $0x0  }
0x16: {  	s3 =	sld [smem:$0x3FDB];
	s0 =	simm.s32 @p2 $0x1  }
0x17: {  	s4 =	simm.s32 $0x1BF5;
	[smem:$0x3FBA] =	sst s0  }
0x18: {  	s0 =	sld [smem:$0x3F9D];
	_ =	swait.ge [sflag:s4], $0x0  }
0x19: {  	s7 =	sld [smem:$0x3F9E]  }
0x1a: {  	s8 =	sadd.s32 $0xFFFFE003, lr  }
0x1b: {  	s9 =	sadd.s32 $0xFFFFFEF7, lr;
	s5 =	simm.s32 $0xFFFFFFFF;
	p2 =	slt.u32 s8, $0xFFFFF086  }
0x1c: {  	p1 =	slt.u32 s9, $0xF7A;
	s5 =	simm.s32 @!p2 $0x0  }
0x1d: {  	s5 =	simm.s32 @p1 $0x1;
	p0 =	seq.s32 s7, s2  }
0x1e: {  	s7 =	smul.u32 @!p0 $0xF7A, s2;
	p2 =	seq.s32 @!p0 s5, $0x0  }
0x1f: {  	s9 =	smul.u32 $0xF7A, s1;
	s8 =	simm.s32 @!p0 $0x1BF5;
	p2 =	por !p2, p0  }
0x20: {  	[sflag:s8] =	ssyncset.s32 @!p0 $0xFFFFF086;
	s6 =	sadd.s32 @!p0 s3, s7;
	s7 =	simm.s32 @!p0 $0x108  }
0x21: {  	s3 =	sadd.s32 s3, s9;
	s6 =	sadd.s32 @!p0 $0x88, s6;
	s7 =	simm.s32 @p2 $0x1082  }
0x22: {  	[simem:s7], [sflag:s8] =	dma.local @!p0 [hbm:s6], $0xF7A  }
0x23: {  	s9 =	sor.u32 $0xD0000000, s2;
	s6 =	simm.s32 $0x108;
	_ =	swait.ge @!p0 [sflag:s8], $0x0  }
0x24: {  	s3 =	sadd.s32 $0x88, s3;
	s6 =	simm.s32 @!p1 $0x1082;
	[sflag:s4] =	ssyncset.s32 $0xFFFFF086  }
0x25: {  	[simem:s6], [sflag:s4] =	dma.local [hbm:s3], $0xF7A  }
0x26: {  	[smem:$0x3F9E] =	sst s1;
	(tag) =	ssettag s2;
	_ =	strace s9  }
0x27: {  	s1 =	sld [smem:$0x3FAE]  }
0x28: {  	s2 =	sld [smem:$0x3FAF]  }
0x29: {  	s4 =	sld [smem:$0x3FB1]  }
0x2a: {  	p0 =	seq.s32 s5, $0x0;
	s5 =	sld [smem:$0x3FB2]  }
0x2b: {  	s6 =	sld [smem:$0x3FB3]  }
0x2c: {  	s7 =	sld [smem:$0x3FB4]  }
0x2d: {  	s3 =	simm.s32 $0x108;
	s8 =	sld [smem:$0x3FB5]  }
0x2e: {  	s3 =	simm.s32 @!p0 $0x1082;
	s9 =	sld [smem:$0x3FB6]  }
0x2f: {  	lr =	sadd.s32 s0, s3;
	s0 =	sld [smem:$0x3FAD]  }
0x30: {  	s3 =	sld [smem:$0x3FB0]  }
0x31: {  	[smem:$0x3FB9] =	sst s10  }
0x32: {  	s10 =	sld [smem:$0x3FB7];
	_ =	sdelay $0x3  }
0x33: {  	p0 =	seq.s32 s10, $0x1;
	s10 =	sld [smem:$0x3FB9];
	_ =	sdelay $0x3  }
0x34: {  	[smem:$0x3FB9] =	sst s10  }
0x35: {  	s10 =	sld [smem:$0x3FB8];
	_ =	sdelay $0x3  }
0x36: {  	p1 =	seq.s32 s10, $0x1;
	s10 =	sld [smem:$0x3FB9];
	_ =	sdelay $0x3  }
0x37: {  	[smem:$0x3FB9] =	sst s10  }
0x38: {  	s10 =	sld [smem:$0x3FBA]  }
0x39: {  	_ = 	snop;
	(pc) =	sbr.ind lr, $3  }
0x3a: {  	_ = 	snop  }
0x3b: {  	_ = 	snop  }
0x3c: {  	p2 =	seq.s32 s10, $0x1;
	s10 =	sld [smem:$0x3FB9]  }
0x3d: {  	_ =	shalt  }
0x3e: {  	_ =	shalt  }
0x3f: {  	_ =	shalt  }
0x40: {  	_ =	shalt  }
0x41: {  	_ =	shalt  }
0x42: {  	_ =	shalt  }
0x43: {  	_ =	shalt  }
0x44: {  	_ =	shalt  }
0x45: {  	_ =	shalt  }
0x46: {  	_ =	shalt  }
0x47: {  	_ =	shalt  }
0x48: {  	_ =	shalt  }
0x49: {  	_ =	shalt  }
0x4a: {  	_ =	shalt  }
0x4b: {  	_ =	shalt  }
0x4c: {  	_ =	shalt  }
0x4d: {  	_ =	shalt  }
0x4e: {  	_ =	shalt  }
0x4f: {  	_ =	shalt  }
0x50: {  	_ =	shalt  }
0x51: {  	_ =	shalt  }
0x52: {  	_ =	shalt  }
0x53: {  	_ =	shalt  }
0x54: {  	_ =	shalt  }
0x55: {  	_ =	shalt  }
0x56: {  	_ =	shalt  }
0x57: {  	_ =	shalt  }
0x58: {  	_ =	shalt  }
0x59: {  	_ =	shalt  }
0x5a: {  	_ =	shalt  }
0x5b: {  	_ =	shalt  }
0x5c: {  	_ =	shalt  }
0x5d: {  	_ =	shalt  }
0x5e: {  	_ =	shalt  }
0x5f: {  	_ =	shalt  }
0x60: {  	_ =	shalt  }
0x61: {  	_ =	shalt  }
0x62: {  	_ =	shalt  }
0x63: {  	_ =	shalt  }
0x64: {  	_ =	shalt  }
0x65: {  	_ =	shalt  }
0x66: {  	_ =	shalt  }
0x67: {  	_ =	shalt  }
0x68: {  	_ =	shalt  }
0x69: {  	_ =	shalt  }
0x6a: {  	_ =	shalt  }
0x6b: {  	_ =	shalt  }
0x6c: {  	_ =	shalt  }
0x6d: {  	_ =	shalt  }
0x6e: {  	_ =	shalt  }
0x6f: {  	_ =	shalt  }
0x70: {  	_ =	shalt  }
0x71: {  	_ =	shalt  }
0x72: {  	_ =	shalt  }
0x73: {  	_ =	shalt  }
0x74: {  	_ =	shalt  }
0x75: {  	_ =	shalt  }
0x76: {  	_ =	shalt  }
0x77: {  	_ =	shalt  }
0x78: {  	_ =	shalt  }
0x79: {  	_ =	shalt  }
0x7a: {  	_ =	shalt  }
0x7b: {  	_ =	shalt  }
0x7c: {  	_ =	shalt  }
0x7d: {  	_ =	shalt  }
0x7e: {  	_ =	shalt  }
0x7f: {  	_ =	shalt  }
0x80: {  	_ =	shalt  }
0x81: {  	_ =	shalt  }
0x82: {  	_ =	shalt  }
0x83: {  	_ =	shalt  }
0x84: {  	_ =	shalt  }
0x85: {  	_ =	shalt  }
0x86: {  	_ =	shalt  }
0x87: {  	_ =	shalt  }
.Lfunc_end0:
.L_simem_size_0:
called_computation_lowered:
.L_overlay_start_0:
0x88: {  	s2 =	sld [smem:$0x3FD9]  }
0x89: {  	s3 =	sld [smem:$0x3FFE];
	_ =	sdelay $0x1  }
0x8a: {  	s1 =	srdreg.scid  }
0x8b: {  	s0 =	sand.u32 $0x1, s1  }
0x8c: {  	s17 =	sshll.u32 s0, $0xA;
	s2 =	sadd.s32 s3, s2  }
0x8d: {  	s2 =	sadd.s32 s2, s17  }
0x8e: {  	[smem:$0x3FC5] =	sst s2  }
0x8f: {  	_ = 	snop  }
0x90: {  	s2 =	sld [smem:$0x3FC8]  }
0x91: {  	s18 =	sld [smem:$0x3FC7]  }
0x92: {  	s4 =	sld [smem:$0x3FD0];
	(tm) =	ssettm $0x1  }
0x93: {  	s5 =	sld [smem:$0x3FFB];
	_ =	sdelay $0x3  }
0x94: {  	_ =	strace s5  }
0x95: {  	s5 =	sld [smem:$0x3FFC];
	_ =	sdelay $0x3  }
0x96: {  	_ =	strace s5  }
0x97: {  	s5 =	sld [smem:$0x3FFD];
	_ =	sdelay $0x3  }
0x98: {  	_ =	strace s5  }
0x99: {  	_ =	strace $0x8FFFFFFF  }
0x9a: {  	s19 =	sld [smem:$0x3FDB];
	_ =	sdelay $0x1  }
0x9b: {  	s6 =	simm.s32 $_scs_section_size  }
0x9c: {  	s7 =	simm.s32 $_size__tile_overlayer_lowered;
	s8 =	simm.s32 $_tile_overlayer_lowered  }
0x9d: {  	s22 =	simm.s32 $0x1BFF;
	s21 =	sshll.u32 s8, $0x1;
	s5 =	sadd.s32 s6, s19  }
0x9e: {  	s9 =	simm.s32 $0x0;
	s20 =	sshll.u32 s7, $0x1;
	s7 =	sadd.s32 s21, s5  }
0x9f: {  	[timem:s9], [sflag:s22] =	dma.local [hbm:s7], s20  }
0xa0: {  	_ =	swait.ge [sflag:s22], s20  }
0xa1: {  	s6 =	ssub.s32 $0x0, s20;
	[sflag:s22] =	ssyncset.done $0x0  }
0xa2: {  	[sflag:s22] =	ssyncadd.s32 s6;
	_ =	sdelay $0x1  }
0xa3: {  	s23 =	simm.s32 $0x1B8B  }
0xa4: {  	_ =	swait.ge [sflag:s23], $0x1  }
0xa5: {  	[sflag:s23] =	ssyncset.done $0x0  }
0xa6: {  	s25 =	simm.s32 $0x1B8E;
	s24 =	sld [smem:$0x3FFE];
	[sflag:s23] =	ssyncadd.s32 $0xFFFFFFFF  }
0xa7: {  	s26 =	simm.s32 $execute0_lowered;
	[smem:$0x3FD2] =	sst s25  }
0xa8: {  	s7 =	sshll.u32 s26, $0x1;
	_ =	strace $0x80000046;
	[dreg:$0x1] =	wrdreg $0xFFFFFFFF  }
0xa9: {  	s28 =	simm.s32 $_size_execute0_lowered;
	s5 =	sadd.s32 s5, s7;
	[dreg:$0x0] =	wrdreg $0x0  }
0xaa: {  	s7 =	sshll.u32 s28, $0x1;
	[dreg:$0x2] =	wrdreg s5  }
0xab: {  	[dreg:$0x3] =	wrdreg s7  }
0xac: {  	[dreg:$0x4] =	wrdreg $0xC0  }
0xad: {  	_ =	task [dreg:s9], $0x5FFFF  }
0xae: {  	[dreg:$0x1] =	wrdreg $0xFFFFFFFF  }
0xaf: {  	[dreg:$0x0] =	wrdreg $0x60  }
0xb0: {  	[dreg:$0x2] =	wrdreg s2  }
0xb1: {  	[dreg:$0x3] =	wrdreg s18  }
0xb2: {  	[dreg:$0x4] =	wrdreg s24  }
0xb3: {  	[dreg:$0x5] =	wrdreg s4  }
0xb4: {  	[dreg:$0x6] =	wrdreg $0xD4800  }
0xb5: {  	[dreg:$0x7] =	wrdreg $0x9  }
0xb6: {  	_ =	task.clear_ibuf [dreg:s9], $0x8FFFF;
	_ =	strace $0x90000046  }
0xb7: {  	s29 =	simm.s32 $0x9;
	_ =	strace $0x80000051  }
0xb8: {  	_ =	swait.ge [sflag:s29], $0x1  }
0xb9: {  	[sflag:s29] =	ssyncadd.s32 $0xFFFFFFFF  }
0xba: {  	_ =	strace $0x90000051  }
0xbb: {  	_ =	sfence  }
0xbc: {  	s30 =	sld [smem:$0x0];
	_ =	sdelay $0x2  }
0xbd: {  	s31 =	sshll.u32 s1, $0xD;
	s1 =	sshrl.u32 s1, $0x2  }
0xbe: {  	s3 =	sand.u32 $0x4000, s31;
	s1 =	sadd.s32 s1, s30  }
0xbf: {  	s0 =	sor.u32 s3, s0;
	s1 =	sshll.u32 s1, $0x11  }
0xc0: {  	s0 =	sor.u32 s1, s0  }
0xc1: {  	s0 =	sadd.s32 $0x8F2B, s0  }
0xc2: {  	[sflag:s0] =	ssyncadd.remote.s32 $0x1  }
0xc3: {  	_ =	sfence.sel $0xFFFF  }
0xc4: {  	[dreg:$0x0] =	wrdreg $0xFFFFFFFF;
	(pc) =	sbr.abs _section_cstart, $3  }
0xc5: {  	[dreg:$0x1] =	wrdreg $0xFFFFFFFF  }
0xc6: {  	_ =	task.clear_ibuf [dreg:s9], $0x2FFFF;
	_ =	strace $0x9FFFFFFF  }
0xc7: {  	(tm) =	ssettm $0x7FFFFFFF  }
tec
execute0_lowered:
.L_overlay_start_1:
0x0: {  	(tag) =	ssettag $0x1  }
0x1: {  	s0 =	rddreg [dreg:$0x2]  }
0x2: {  	s1 =	rddreg [dreg:$0x3]  }
0x3: {  	s16 =	rddreg [dreg:$0x4];
	s15 =	simm.s32 $0x0;
	s25 =	srdreg.scid  }
0x4: {  	s3 =	stileid.u32;
	s17 =	simm.s32 $0x80;
	[dreg:$0x6] =	wrdreg s1  }
0x5: {  	[smem:$0x7FF] =	sst s15;
	s1 =	sand.u32 $0x1, s25;
	s5 =	smul.u32 $0x24000, s3  }
0x6: {  	s6 =	sadd.s32 $0x64600, s0;
	s31 =	smul.u32 $0x9000, s3;
	s2 =	sshll.u32 s1, $0x4  }
0x7: {  	_ =	strace $0x80000047;
	s1 =	ssub.s32 $0x2, s1;
	s2 =	sor.u32 s3, s2  }
0x8: {  	s8 =	sshrl.u32 s1, $0x1;
	s28 =	sshrl.u32 s5, $0x2;
	[dreg:$0xb] =	wrdreg s31  }
0x9: {  	s10 =	smul.u32 $0x3200, s2;
	s26 =	ssub.s32 s1, s8;
	s1 =	sadd.s32 s28, s16  }
0xa: {  	s7 =	sadd.s32 $0x600, s0;
	[dreg:$0x7] =	wrdreg s1;
	s0 =	smax.u32 s26, $0x1  }
0xb: {  	s21 =	simm.s32 $0x7;
	s29 =	sadd.s32 s6, s10;
	[dreg:$0xa] =	wrdreg s0  }
0xc: {  	s14 =	smul.u32 $0x240, s3;
	s30 =	sadd.s32 s7, s10;
	[dreg:$0x8] =	wrdreg s29  }
0xd: {  	s9 =	smul.u32 $0x320, s2;
	s1 =	simm.s32 $0x0;
	[dreg:$0x9] =	wrdreg s30  }
.LBB2_1:
0xe: {  	[dreg:$0xc] =	wrdreg s1  }
0xf: {  	s0 =	rddreg [dreg:$0x0];
	s29 =	simm.s32 $0x1  }
0x10: {  	[tilespmem:s17], [sflag:$0x1] =	stream.linear.gather [hbm4b:s0+s15], $0x1E00, $0x38;
	[tilespmem:$0x1E680] =	vst v63  }
0x11: {  	_ =	swait.ge [sflag:s29], $0x1E00  }
0x12: {  	[sflag:s29] =	ssyncset.done $0x0  }
0x13: {  	[sflag:s29] =	ssyncadd.s32 $0xFFFFE200  }
0x14: {  	s2 =	simm.s32 $0x2080;
	s30 =	rddreg [dreg:$0x1]  }
0x15: {  	[tilespmem:s2], [sflag:$0x1] =	stream.linear.gather [hbm4b:s30+s15], $0x2400, $0x38;
	[tilespmem:$0x1E680] =	vst v63  }
0x16: {  	_ =	swait.ge [sflag:s29], $0x2400  }
0x17: {  	[sflag:s29] =	ssyncset.done $0x0;
	s8 =	rddreg [dreg:$0xb]  }
0x18: {  	s31 =	sadd.s32 $0x0, s14;
	[sflag:s29] =	ssyncadd.s32 $0xFFFFDC00;
	s1 =	sand.u32 $0x1F80, s8  }
0x19: {  	s5 =	sand.u32 $0x7F80, s31;
	v0 =	vld [tilespmem:s1+$0x80]  }
0x1a: {  	v1 =	vld [tilespmem:s5+$0x2080];
	_ =	sdelay $0x4  }
0x1b: {  	v0 =	vadd.f32 v0, v1  }
0x1c: {  	s0 =	simm.s32 $0x44C0  }
0x1d: {  	[tilespmem:s0+$0xFFFFFFC0] =	vst v0  }
0x1e: {  	v0 =	vld [tilespmem:s5+$0x2090]  }
0x1f: {  	v1 =	vld [tilespmem:s1+$0x90];
	_ =	sdelay $0x4  }
0x20: {  	v0 =	vadd.f32 v1, v0;
	_ =	sdelay $0x1  }
0x21: {  	[tilespmem:s0+$0xFFFFFFD0] =	vst v0  }
0x22: {  	v0 =	vld [tilespmem:s5+$0x20A0]  }
0x23: {  	v1 =	vld [tilespmem:s1+$0xA0];
	_ =	sdelay $0x4  }
0x24: {  	v0 =	vadd.f32 v1, v0;
	_ =	sdelay $0x1  }
0x25: {  	[tilespmem:s0+$0xFFFFFFE0] =	vst v0  }
0x26: {  	v0 =	vld [tilespmem:s5+$0x20B0]  }
0x27: {  	v1 =	vld [tilespmem:s1+$0xB0];
	_ =	sdelay $0x4  }
0x28: {  	v0 =	vadd.f32 v1, v0;
	_ =	sdelay $0x1  }
0x29: {  	[tilespmem:s0+$0xFFFFFFF0] =	vst v0  }
0x2a: {  	v0 =	vld [tilespmem:s5+$0x20C0]  }
0x2b: {  	v1 =	vld [tilespmem:s1+$0xC0];
	_ =	sdelay $0x4  }
0x2c: {  	v0 =	vadd.f32 v1, v0;
	_ =	sdelay $0x1  }
0x2d: {  	[tilespmem:s0+$0x0] =	vst v0  }
0x2e: {  	v0 =	vld [tilespmem:s5+$0x20D0]  }
0x2f: {  	v1 =	vld [tilespmem:s1+$0xD0];
	_ =	sdelay $0x4  }
0x30: {  	v0 =	vadd.f32 v1, v0;
	_ =	sdelay $0x1  }
0x31: {  	[tilespmem:s0+$0x10] =	vst v0  }
0x32: {  	v0 =	vld [tilespmem:s5+$0x20E0]  }
0x33: {  	v1 =	vld [tilespmem:s1+$0xE0];
	_ =	sdelay $0x4  }
0x34: {  	v0 =	vadd.f32 v1, v0;
	_ =	sdelay $0x1  }
0x35: {  	[tilespmem:s0+$0x20] =	vst v0  }
0x36: {  	s2 =	simm.s32 $0x2;
	v0 =	vld [tilespmem:s5+$0x20F0];
	s5 =	simm.s32 $0x44C0  }
.LBB2_2:
0x37: {  	p0 =	sne.s32 s2, $0x23E;
	v1 =	vld [tilespmem:s1+$0xF0];
	s8 =	sadd.s32 $0x80, s8;
	s0 =	sadd.s32 $0x80, s0  }
0x38: {  	s1 =	smov.u32 s2;
	s2 =	sadd.s32 $0x2, s2;
	_ =	sdelay $0x3  }
0x39: {  	v0 =	vadd.f32 v1, v0;
	_ =	sdelay $0x1  }
0x3a: {  	s10 =	sadd.s32 s1, s14;
	s1 =	sand.u32 $0x1F80, s8;
	[tilespmem:s5+$0x30] =	vst v0;
	s5 =	smov.u32 s0  }
0x3b: {  	s10 =	sand.u32 $0x7F80, s10;
	v0 =	vld [tilespmem:s1+$0x80]  }
0x3c: {  	v1 =	vld [tilespmem:s10+$0x2080];
	_ =	sdelay $0x4  }
0x3d: {  	v0 =	vadd.f32 v0, v1;
	_ =	sdelay $0x1  }
0x3e: {  	[tilespmem:s0+$0xFFFFFFC0] =	vst v0  }
0x3f: {  	v0 =	vld [tilespmem:s10+$0x2090]  }
0x40: {  	v1 =	vld [tilespmem:s1+$0x90];
	_ =	sdelay $0x4  }
0x41: {  	v0 =	vadd.f32 v1, v0;
	_ =	sdelay $0x1  }
0x42: {  	[tilespmem:s0+$0xFFFFFFD0] =	vst v0  }
0x43: {  	v0 =	vld [tilespmem:s10+$0x20A0]  }
0x44: {  	v1 =	vld [tilespmem:s1+$0xA0];
	_ =	sdelay $0x4  }
0x45: {  	v0 =	vadd.f32 v1, v0;
	_ =	sdelay $0x1  }
0x46: {  	[tilespmem:s0+$0xFFFFFFE0] =	vst v0  }
0x47: {  	v0 =	vld [tilespmem:s10+$0x20B0]  }
0x48: {  	v1 =	vld [tilespmem:s1+$0xB0];
	_ =	sdelay $0x4  }
0x49: {  	v0 =	vadd.f32 v1, v0;
	_ =	sdelay $0x1  }
0x4a: {  	[tilespmem:s0+$0xFFFFFFF0] =	vst v0  }
0x4b: {  	v0 =	vld [tilespmem:s10+$0x20C0]  }
0x4c: {  	v1 =	vld [tilespmem:s1+$0xC0];
	_ =	sdelay $0x4  }
0x4d: {  	v0 =	vadd.f32 v1, v0;
	_ =	sdelay $0x1  }
0x4e: {  	[tilespmem:s0+$0x0] =	vst v0  }
0x4f: {  	v0 =	vld [tilespmem:s10+$0x20D0]  }
0x50: {  	v1 =	vld [tilespmem:s1+$0xD0];
	_ =	sdelay $0x4  }
0x51: {  	v0 =	vadd.f32 v1, v0;
	_ =	sdelay $0x1  }
0x52: {  	[tilespmem:s0+$0x10] =	vst v0  }
0x53: {  	v0 =	vld [tilespmem:s10+$0x20E0]  }
0x54: {  	v1 =	vld [tilespmem:s1+$0xE0];
	_ =	sdelay $0x3  }
.Ltmp0:
0x55: {  	(pc) =	sbr.rel @p0 .LBB2_2-.Ltmp0, $3  }
0x56: {  	v0 =	vadd.f32 v1, v0;
	_ =	sdelay $0x1  }
0x57: {  	[tilespmem:s0+$0x20] =	vst v0  }
0x58: {  	v0 =	vld [tilespmem:s10+$0x20F0]  }
0x59: {  	v1 =	vld [tilespmem:s1+$0xF0];
	_ =	sdelay $0x4  }
0x5a: {  	v0 =	vadd.f32 v1, v0;
	_ =	sdelay $0x1  }
0x5b: {  	s0 =	rddreg [dreg:$0x7];
	s13 =	simm.s32 $0x4480;
	s1 =	simm.s32 $0x1;
	[tilespmem:s5+$0x30] =	vst v0  }
0x5c: {  	[spmem:s0] =	stream.linear.scatter [tilespmem:s13], [sflag:$0x1], $0x9000, $0x38;
	[tilespmem:$0x1E680] =	vst v63  }
0x5d: {  	s23 =	simm.s32 $0x1;
	p1 =	por $0x0, $0x0;
	_ =	swait.ge [sflag:s1], $0x9000  }
0x5e: {  	p0 =	por $0x0, $0x0;
	s23 =	simm.s32 @p1 $0x0;
	[sflag:s1] =	ssyncset.done $0x0  }
0x5f: {  	s2 =	simm.s32 $0x0;
	p2 =	seq.s32 @!p0 s23, $0x0;
	[sflag:s1] =	ssyncadd.s32 $0xFFFF7000  }
0x60: {  	s3 =	simm.s32 $0x16480;
	p1 =	por p2, p0;
	[bflag:$0x0] =	sbarrier.arrive $0xFFFF  }
0x61: {  	s20 =	simm.s32 $0x16580;
	s5 =	sand.u32 @!p1 $0x1, s1;
	_ =	strace $0x80000048  }
0x62: {  	s0 =	sadd.s32 @!p1 s9, s23;
	s8 =	sshll.u32 @!p1 s5, $0x7;
	s18 =	rddreg [dreg:$0x8]  }
0x63: {  	[tilespmem:s3], [sflag:$0x1] =	stream.linear.gather [hbm4b:s18+s2], $0x80, $0x200038;
	[tilespmem:$0x1E680] =	vst v63  }
0x64: {  	s12 =	sadd.s32 @!p1 $0x1, s5;
	s0 =	sshll.u32 @!p1 s0, $0x4;
	s19 =	rddreg [dreg:$0x9]  }
0x65: {  	[tilespmem:s20], [sflag:$0x3] =	stream.linear.gather [hbm4b:s19+s2], $0x80, $0x200038;
	[tilespmem:$0x1E680] =	vst v63  }
0x66: {  	s13 =	simm.s32 @!p1 $0x0;
	s0 =	sand.u32 @!p1 $0x1FFFFFF0, s0;
	_ =	strace $0x90000048  }
0x67: {  	s10 =	sadd.s32 @!p1 $0x16480, s8;
	s11 =	sadd.s32 @!p1 s6, s0;
	_ =	strace @!p1 $0x80000049  }
0x68: {  	[tilespmem:s10], [sflag:s12] =	stream.linear.gather @!p1 [hbm4b:s11+s13], $0x80, $0x200038;
	[tilespmem:$0x1E680] =	vst v63  }
0x69: {  	s5 =	sadd.s32 @!p1 $0x3, s5;
	_ =	strace @!p1 $0x90000049  }
0x6a: {  	s8 =	sadd.s32 @!p1 $0x16580, s8;
	s0 =	sadd.s32 @!p1 s7, s0;
	_ =	strace @!p1 $0x8000004A  }
0x6b: {  	[tilespmem:s8], [sflag:s5] =	stream.linear.gather @!p1 [hbm4b:s0+s13], $0x80, $0x200038;
	[tilespmem:$0x1E680] =	vst v63  }
0x6c: {  	s0 =	sand.u32 $0x1, s2;
	_ =	strace @!p1 $0x9000004A  }
0x6d: {  	s22 =	sadd.s32 $0x1, s0;
	_ =	strace $0x8000004B  }
0x6e: {  	_ =	swait.ge [sflag:s22], $0x80  }
0x6f: {  	[sflag:s22] =	ssyncset.done $0x0  }
0x70: {  	[sflag:s22] =	ssyncadd.s32 $0xFFFFFF80  }
0x71: {  	_ =	strace $0x9000004B  }
0x72: {  	s24 =	sadd.s32 $0x3, s0;
	_ =	strace $0x8000004C  }
0x73: {  	_ =	swait.ge [sflag:s24], $0x80  }
0x74: {  	[sflag:s24] =	ssyncset.done $0x0  }
0x75: {  	[sflag:s24] =	ssyncadd.s32 $0xFFFFFF80  }
0x76: {  	s25 =	simm.s32 $0x0;
	_ =	strace $0x9000004C  }
0x77: {  	s26 =	sand.u32 $0x80, s25;
	_ =	strace $0x8000004D  }
0x78: {  	v55 =	vld [tilespmem:s26+$0x16480]  }
0x79: {  	v56 =	vld [tilespmem:s26+$0x16580];
	_ =	sdelay $0x3  }
0x7a: {  	v0 =	vshll.u32 v55, $0x6  }
0x7b: {  	v0 =	vadd.s32 v56, v0  }
0x7c: {  	[tilespmem:$0x0] =	vst v0  }
0x7d: {  	v0 =	vld [tilespmem:s26+$0x16490]  }
0x7e: {  	v57 =	vld [tilespmem:s26+$0x16590];
	_ =	sdelay $0x3  }
0x7f: {  	v0 =	vshll.u32 v0, $0x6  }
0x80: {  	v0 =	vadd.s32 v57, v0  }
0x81: {  	[tilespmem:$0x10] =	vst v0  }
0x82: {  	v0 =	vld [tilespmem:s26+$0x164A0]  }
0x83: {  	v58 =	vld [tilespmem:s26+$0x165A0];
	_ =	sdelay $0x3  }
0x84: {  	v0 =	vshll.u32 v0, $0x6  }
0x85: {  	v0 =	vadd.s32 v58, v0  }
0x86: {  	[tilespmem:$0x20] =	vst v0  }
0x87: {  	v0 =	vld [tilespmem:s26+$0x164B0]  }
0x88: {  	v59 =	vld [tilespmem:s26+$0x165B0];
	_ =	sdelay $0x3  }
0x89: {  	v0 =	vshll.u32 v0, $0x6  }
0x8a: {  	v0 =	vadd.s32 v59, v0  }
0x8b: {  	[tilespmem:$0x30] =	vst v0  }
0x8c: {  	v0 =	vld [tilespmem:s26+$0x164C0]  }
0x8d: {  	v60 =	vld [tilespmem:s26+$0x165C0];
	_ =	sdelay $0x3  }
0x8e: {  	v0 =	vshll.u32 v0, $0x6  }
0x8f: {  	v0 =	vadd.s32 v60, v0  }
0x90: {  	[tilespmem:$0x40] =	vst v0  }
0x91: {  	v0 =	vld [tilespmem:s26+$0x164D0]  }
0x92: {  	v61 =	vld [tilespmem:s26+$0x165D0];
	_ =	sdelay $0x3  }
0x93: {  	v0 =	vshll.u32 v0, $0x6  }
0x94: {  	v0 =	vadd.s32 v61, v0  }
0x95: {  	[tilespmem:$0x50] =	vst v0  }
0x96: {  	v0 =	vld [tilespmem:s26+$0x164E0]  }
0x97: {  	v62 =	vld [tilespmem:s26+$0x165E0];
	_ =	sdelay $0x1  }
0x98: {  	p3 =	por $0x1, $0x1;
	p4 =	sne.s32 s23, $0x0  }
0x99: {  	s29 =	sand.u32 @!p3 $0x1, s2;
	p2 =	por !p2, p0;
	p5 =	por p0, p4  }
0x9a: {  	s10 =	simm.s32 @!p1 $0x2;
	s2 =	simm.s32 $0x0;
	s13 =	simm.s32 $0x1;
	v0 =	vshll.u32 v0, $0x6  }
0x9b: {  	s5 =	simm.s32 $0x31E;
	s2 =	simm.s32 @p2 $0x1;
	s13 =	smov.u32 @p2 s10;
	v0 =	vadd.s32 v62, v0  }
0x9c: {  	s30 =	sshll.u32 s0, $0xE;
	p2 =	por p3, p3;
	p1 =	por $0x0, $0x0;
	[tilespmem:$0x60] =	vst v0  }
0x9d: {  	s10 =	simm.s32 $0x1;
	p3 =	por $0x0, $0x0;
	s2 =	simm.s32 @p0 $0x0;
	v0 =	vld [tilespmem:s26+$0x164F0]  }
0x9e: {  	s13 =	smov.u32 @p0 s1;
	s1 =	simm.s32 $0x1;
	s11 =	sadd.s32 $0x16680, s30;
	v63 =	vld [tilespmem:s26+$0x165F0]  }
0x9f: {  	p0 =	por $0x0, $0x0;
	s10 =	simm.s32 @!p1 $0x0;
	s28 =	sadd.s32 $0x1, s2  }
0xa0: {  	s2 =	sadd.s32 $0x0, s9;
	s1 =	simm.s32 @!p5 $0x0;
	s25 =	sadd.s32 $0x0, s10  }
0xa1: {  	s12 =	sshll.u32 @p5 s2, $0xB;
	s2 =	sadd.s32 $0x0, s1;
	s1 =	sadd.s32 $0x1, s23  }
0xa2: {  	s10 =	sand.u32 @!p3 $0x1, s25;
	s8 =	sand.u32 $0x1, s2;
	p1 =	seq.s32 s1, $0x320;
	v0 =	vshll.u32 v0, $0x6  }
0xa3: {  	s20 =	sand.u32 $0x1, s2;
	s18 =	sand.u32 $0x1, s2;
	s1 =	simm.s32 @p1 $0x0;
	v0 =	vadd.s32 v63, v0  }
0xa4: {  	s31 =	smov.u32 s2;
	p6 =	seq.s32 @!p0 s23, s1;
	p4 =	sne.s32 s23, s1;
	[tilespmem:$0x70] =	vst v0  }
0xa5: {  	[tilespmem:s11], [sflag:$0x7] =	stream.indirect.gather [spmem:s16], $0x80, s15, s17, $0x2000b8;
	[tilespmem:$0x1E680] =	vst v63  }
0xa6: {  	s24 =	simm.s32 $0x31F;
	s26 =	smov.u32 s2;
	_ =	swait.ge [sflag:s21], $0x4000  }
.LBB2_4:
0xa7: {  	[sflag:s21] =	ssyncset.done $0x0  }
0xa8: {  	[sflag:s21] =	ssyncadd.s32 $0xFFFFC000  }
0xa9: {  	s17 =	smov.u32 s5;
	s5 =	sadd.s32 $0xFFFFFFFF, s5;
	_ =	strace $0x9000004D  }
0xaa: {  	s12 =	sand.u32 @p5 $0x1FFFF800, s12;
	s15 =	smov.u32 s16;
	_ =	strace @p5 $0x8000004E  }
0xab: {  	s22 =	sadd.s32 @!p2 $0x5, s29;
	s29 =	smov.u32 s10;
	s16 =	rddreg [dreg:$0x6]  }
0xac: {  	s0 =	sadd.s32 @p5 $0x5, s0;
	s10 =	sadd.s32 @p5 s16, s12;
	s12 =	simm.s32 @p5 $0x0  }
0xad: {  	[hbm4b:s10+s12] =	stream.linear.scatter @p5 [tilespmem:s11], [sflag:s0], $0x4000, $0x200038;
	[tilespmem:$0x1E680] =	vst v63  }
0xae: {  	_ =	strace @p5 $0x9000004E;
	p5 =	sne.s32 s5, $0x0  }
0xaf: {  	s0 =	simm.s32 @!p5 $0x0  }
0xb0: {  	s0 =	simm.s32 @p5 $0x1  }
0xb1: {  	[smem:$0x7FD] =	sst s0  }
0xb2: {  	p1 =	por p6, p0;
	_ =	strace @!p2 $0x8000004F  }
0xb3: {  	s16 =	simm.s32 @!p1 $0x0;
	s10 =	sand.u32 @!p1 $0x1, s13;
	_ =	swait.ge @!p2 [sflag:s22], $0x4000  }
0xb4: {  	s11 =	sshll.u32 @!p1 s10, $0x7;
	s0 =	sadd.s32 @!p1 s9, s1;
	[sflag:s22] =	ssyncset.done @!p2 $0x0  }
0xb5: {  	s11 =	sadd.s32 @!p1 $0x16480, s11;
	s0 =	sshll.u32 @!p1 s0, $0x4;
	[sflag:s22] =	ssyncadd.s32 @!p2 $0xFFFFC000  }
0xb6: {  	s10 =	sadd.s32 @!p1 $0x1, s10;
	s0 =	sand.u32 @!p1 $0x1FFFFFF0, s0;
	_ =	strace @!p2 $0x9000004F  }
0xb7: {  	s12 =	sadd.s32 @!p1 s6, s0;
	s22 =	sand.u32 @!p1 $0x1, s28;
	_ =	strace @!p1 $0x80000049  }
0xb8: {  	[tilespmem:s11], [sflag:s10] =	stream.linear.gather @!p1 [hbm4b:s12+s16], $0x80, $0x200038;
	[tilespmem:$0x1E680] =	vst v63  }
0xb9: {  	s0 =	sadd.s32 @!p1 s7, s0;
	s4 =	sshll.u32 @!p1 s22, $0x7;
	_ =	strace @!p1 $0x90000049  }
0xba: {  	s22 =	sadd.s32 @!p1 $0x3, s22;
	s4 =	sadd.s32 @!p1 $0x16580, s4;
	_ =	strace @!p1 $0x8000004A  }
0xbb: {  	[tilespmem:s4], [sflag:s22] =	stream.linear.gather @!p1 [hbm4b:s0+s16], $0x80, $0x200038;
	[tilespmem:$0x1E680] =	vst v63  }
0xbc: {  	_ =	strace @!p1 $0x9000004A  }
0xbd: {  	s22 =	sadd.s32 $0x1, s8;
	_ =	strace $0x8000004B  }
0xbe: {  	_ =	swait.ge [sflag:s22], $0x80  }
0xbf: {  	[sflag:s22] =	ssyncset.done $0x0  }
0xc0: {  	[sflag:s22] =	ssyncadd.s32 $0xFFFFFF80  }
0xc1: {  	_ =	strace $0x9000004B  }
0xc2: {  	s22 =	sadd.s32 $0x3, s20;
	_ =	strace $0x8000004C  }
0xc3: {  	_ =	swait.ge [sflag:s22], $0x80  }
0xc4: {  	p6 =	por !p6, p0;
	s3 =	sadd.s32 @!p1 $0x1, s13;
	[sflag:s22] =	ssyncset.done $0x0  }
0xc5: {  	s30 =	smov.u32 s13;
	s13 =	smov.u32 @p6 s3;
	[sflag:s22] =	ssyncadd.s32 $0xFFFFFF80  }
0xc6: {  	s13 =	smov.u32 @p0 s30;
	s30 =	sshll.u32 s2, $0x7;
	_ =	strace $0x9000004C  }
0xc7: {  	s12 =	sshll.u32 s31, $0x7;
	s8 =	sand.u32 $0x80, s30;
	_ =	strace $0x8000004D  }
0xc8: {  	s19 =	sshll.u32 s18, $0xE;
	s0 =	smov.u32 s18;
	s18 =	sand.u32 $0x80, s12;
	v0 =	vld [tilespmem:s8+$0x16480]  }
0xc9: {  	v1 =	vld [tilespmem:s18+$0x16580];
	_ =	sdelay $0x3  }
0xca: {  	v0 =	vshll.u32 v0, $0x6  }
0xcb: {  	v0 =	vadd.s32 v1, v0  }
0xcc: {  	[tilespmem:$0x0] =	vst v0  }
0xcd: {  	v0 =	vld [tilespmem:s8+$0x16490]  }
0xce: {  	v57 =	vld [tilespmem:s18+$0x16590];
	_ =	sdelay $0x3  }
0xcf: {  	v0 =	vshll.u32 v0, $0x6  }
0xd0: {  	v0 =	vadd.s32 v57, v0  }
0xd1: {  	[tilespmem:$0x10] =	vst v0  }
0xd2: {  	v0 =	vld [tilespmem:s8+$0x164A0]  }
0xd3: {  	v58 =	vld [tilespmem:s18+$0x165A0];
	_ =	sdelay $0x3  }
0xd4: {  	v0 =	vshll.u32 v0, $0x6  }
0xd5: {  	v0 =	vadd.s32 v58, v0  }
0xd6: {  	[tilespmem:$0x20] =	vst v0  }
0xd7: {  	v0 =	vld [tilespmem:s8+$0x164B0]  }
0xd8: {  	v59 =	vld [tilespmem:s18+$0x165B0];
	_ =	sdelay $0x3  }
0xd9: {  	v0 =	vshll.u32 v0, $0x6  }
0xda: {  	v0 =	vadd.s32 v59, v0  }
0xdb: {  	[tilespmem:$0x30] =	vst v0  }
0xdc: {  	v0 =	vld [tilespmem:s8+$0x164C0]  }
0xdd: {  	v60 =	vld [tilespmem:s18+$0x165C0];
	_ =	sdelay $0x3  }
0xde: {  	v0 =	vshll.u32 v0, $0x6  }
0xdf: {  	v0 =	vadd.s32 v60, v0  }
0xe0: {  	[tilespmem:$0x40] =	vst v0  }
0xe1: {  	v0 =	vld [tilespmem:s8+$0x164D0]  }
0xe2: {  	v61 =	vld [tilespmem:s18+$0x165D0];
	_ =	sdelay $0x3  }
0xe3: {  	v0 =	vshll.u32 v0, $0x6  }
0xe4: {  	v0 =	vadd.s32 v61, v0  }
0xe5: {  	[tilespmem:$0x50] =	vst v0  }
0xe6: {  	v0 =	vld [tilespmem:s8+$0x164E0]  }
0xe7: {  	v62 =	vld [tilespmem:s18+$0x165E0];
	_ =	sdelay $0x3  }
0xe8: {  	v0 =	vshll.u32 v0, $0x6  }
0xe9: {  	v0 =	vadd.s32 v62, v0  }
0xea: {  	[tilespmem:$0x60] =	vst v0  }
0xeb: {  	v0 =	vld [tilespmem:s8+$0x164F0]  }
0xec: {  	s3 =	simm.s32 $0x0;
	v63 =	vld [tilespmem:s18+$0x165F0]  }
0xed: {  	s3 =	simm.s32 @p6 $0x1  }
0xee: {  	s3 =	simm.s32 @p0 $0x0  }
0xef: {  	p5 =	por p0, p4;
	p0 =	seq.s32 s17, $0x1;
	s28 =	sadd.s32 s28, s3  }
0xf0: {  	s3 =	sadd.s32 s9, s23;
	s11 =	sadd.s32 $0x16680, s19;
	s16 =	smov.u32 s15;
	v0 =	vshll.u32 v0, $0x6  }
0xf1: {  	s15 =	simm.s32 $0x0;
	s12 =	sshll.u32 @p5 s3, $0xB;
	s3 =	simm.s32 $0x1;
	v0 =	vadd.s32 v63, v0  }
0xf2: {  	p1 =	sne.s32 s24, $0x320;
	s24 =	smov.u32 s17;
	s17 =	simm.s32 $0x80;
	[tilespmem:$0x70] =	vst v0  }
0xf3: {  	[tilespmem:s11], [sflag:$0x7] =	stream.indirect.gather [spmem:s16], $0x80, s15, s17, $0x2000b8;
	[tilespmem:$0x1E680] =	vst v63  }
0xf4: {  	s23 =	smov.u32 s1;
	s3 =	simm.s32 @!p5 $0x0;
	_ =	swait.ge [sflag:s21], $0x4000  }
0xf5: {  	s1 =	sadd.s32 $0x1, s1;
	s26 =	sadd.s32 s3, s26;
	s30 =	sld [smem:$0x7FD]  }
0xf6: {  	s2 =	sadd.s32 s3, s2;
	s31 =	sadd.s32 s3, s31;
	s3 =	simm.s32 $0x1  }
0xf7: {  	s3 =	simm.s32 @!p1 $0x0;
	p1 =	seq.s32 s1, $0x320  }
0xf8: {  	s1 =	simm.s32 @p1 $0x0;
	p1 =	seq.s32 s30, $0x1  }
.Ltmp1:
0xf9: {  	_ = 	snop;
	(pc) =	sbr.rel @p1 .LBB2_4-.Ltmp1, $4  }
0xfa: {  	_ = 	snop  }
0xfb: {  	p2 =	por p3, p3;
	p3 =	seq.s32 s24, $0x320;
	s25 =	sadd.s32 s3, s25  }
0xfc: {  	s20 =	sand.u32 $0x1, s31;
	s10 =	sand.u32 @!p3 $0x1, s25;
	p6 =	seq.s32 @!p0 s23, s1  }
0xfd: {  	p4 =	sne.s32 s23, s1;
	s8 =	sand.u32 $0x1, s2;
	s18 =	sand.u32 $0x1, s26  }
0xfe: {  	[sflag:s21] =	ssyncset.done $0x0  }
0xff: {  	[sflag:s21] =	ssyncadd.s32 $0xFFFFC000  }
0x100: {  	_ =	strace $0x9000004D  }
0x101: {  	_ =	strace @p5 $0x8000004E  }
0x102: {  	s4 =	sand.u32 @p5 $0x1FFFF800, s12;
	s3 =	rddreg [dreg:$0x6]  }
0x103: {  	s0 =	sadd.s32 @p5 $0x5, s0;
	s3 =	sadd.s32 @p5 s3, s4;
	s4 =	simm.s32 @p5 $0x0  }
0x104: {  	[hbm4b:s3+s4] =	stream.linear.scatter @p5 [tilespmem:s11], [sflag:s0], $0x4000, $0x200038;
	[tilespmem:$0x1E680] =	vst v63  }
0x105: {  	_ =	strace @p5 $0x9000004E  }
0x106: {  	p1 =	por p6, p0;
	s0 =	sadd.s32 @!p2 $0x5, s29;
	_ =	strace @!p2 $0x8000004F  }
0x107: {  	s1 =	sadd.s32 @!p1 s9, s1;
	_ =	swait.ge @!p2 [sflag:s0], $0x4000  }
0x108: {  	s5 =	simm.s32 @!p1 $0x0;
	s1 =	sshll.u32 @!p1 s1, $0x4;
	[sflag:s0] =	ssyncset.done @!p2 $0x0  }
0x109: {  	s1 =	sand.u32 @!p1 $0x1FFFFFF0, s1;
	s3 =	sand.u32 @!p1 $0x1, s13;
	[sflag:s0] =	ssyncadd.s32 @!p2 $0xFFFFC000  }
0x10a: {  	s4 =	sshll.u32 @!p1 s3, $0x7;
	s3 =	sadd.s32 @!p1 $0x1, s3;
	_ =	strace @!p2 $0x9000004F  }
0x10b: {  	s0 =	sadd.s32 @!p1 $0x16480, s4;
	s4 =	sadd.s32 @!p1 s6, s1;
	_ =	strace @!p1 $0x80000049  }
0x10c: {  	[tilespmem:s0], [sflag:s3] =	stream.linear.gather @!p1 [hbm4b:s4+s5], $0x80, $0x200038;
	[tilespmem:$0x1E680] =	vst v63  }
0x10d: {  	s0 =	sand.u32 @!p1 $0x1, s28  }
0x10e: {  	s1 =	sadd.s32 @!p1 s7, s1;
	s3 =	sshll.u32 @!p1 s0, $0x7;
	_ =	strace @!p1 $0x90000049  }
0x10f: {  	s0 =	sadd.s32 @!p1 $0x3, s0;
	s3 =	sadd.s32 @!p1 $0x16580, s3;
	_ =	strace @!p1 $0x8000004A  }
0x110: {  	[tilespmem:s3], [sflag:s0] =	stream.linear.gather @!p1 [hbm4b:s1+s5], $0x80, $0x200038;
	[tilespmem:$0x1E680] =	vst v63  }
0x111: {  	_ =	strace @!p1 $0x9000004A  }
0x112: {  	s19 =	sadd.s32 $0x1, s8;
	_ =	strace $0x8000004B  }
0x113: {  	_ =	swait.ge [sflag:s19], $0x80  }
0x114: {  	[sflag:s19] =	ssyncset.done $0x0  }
0x115: {  	[sflag:s19] =	ssyncadd.s32 $0xFFFFFF80  }
0x116: {  	_ =	strace $0x9000004B  }
0x117: {  	s20 =	sadd.s32 $0x3, s20;
	_ =	strace $0x8000004C  }
0x118: {  	_ =	swait.ge [sflag:s20], $0x80  }
0x119: {  	[sflag:s20] =	ssyncset.done $0x0  }
0x11a: {  	[sflag:s20] =	ssyncadd.s32 $0xFFFFFF80  }
0x11b: {  	s22 =	sshll.u32 s2, $0x7;
	_ =	strace $0x9000004C  }
0x11c: {  	s26 =	sshll.u32 s31, $0x7;
	s0 =	sand.u32 $0x80, s22;
	_ =	strace $0x8000004D  }
0x11d: {  	s1 =	sand.u32 $0x80, s26;
	v0 =	vld [tilespmem:s0+$0x16480]  }
0x11e: {  	v1 =	vld [tilespmem:s1+$0x16580];
	_ =	sdelay $0x3  }
0x11f: {  	v0 =	vshll.u32 v0, $0x6  }
0x120: {  	v0 =	vadd.s32 v1, v0  }
0x121: {  	[tilespmem:$0x0] =	vst v0  }
0x122: {  	v0 =	vld [tilespmem:s0+$0x16490]  }
0x123: {  	v57 =	vld [tilespmem:s1+$0x16590];
	_ =	sdelay $0x3  }
0x124: {  	v0 =	vshll.u32 v0, $0x6  }
0x125: {  	v0 =	vadd.s32 v57, v0  }
0x126: {  	[tilespmem:$0x10] =	vst v0  }
0x127: {  	v0 =	vld [tilespmem:s0+$0x164A0]  }
0x128: {  	v58 =	vld [tilespmem:s1+$0x165A0];
	_ =	sdelay $0x3  }
0x129: {  	v0 =	vshll.u32 v0, $0x6  }
0x12a: {  	v0 =	vadd.s32 v58, v0  }
0x12b: {  	[tilespmem:$0x20] =	vst v0  }
0x12c: {  	v0 =	vld [tilespmem:s0+$0x164B0]  }
0x12d: {  	v59 =	vld [tilespmem:s1+$0x165B0];
	_ =	sdelay $0x3  }
0x12e: {  	v0 =	vshll.u32 v0, $0x6  }
0x12f: {  	v0 =	vadd.s32 v59, v0  }
0x130: {  	[tilespmem:$0x30] =	vst v0  }
0x131: {  	v0 =	vld [tilespmem:s0+$0x164C0]  }
0x132: {  	v60 =	vld [tilespmem:s1+$0x165C0];
	_ =	sdelay $0x3  }
0x133: {  	v0 =	vshll.u32 v0, $0x6  }
0x134: {  	v0 =	vadd.s32 v60, v0  }
0x135: {  	[tilespmem:$0x40] =	vst v0  }
0x136: {  	v0 =	vld [tilespmem:s0+$0x164D0]  }
0x137: {  	v61 =	vld [tilespmem:s1+$0x165D0];
	_ =	sdelay $0x3  }
0x138: {  	v0 =	vshll.u32 v0, $0x6  }
0x139: {  	v0 =	vadd.s32 v61, v0  }
0x13a: {  	[tilespmem:$0x50] =	vst v0  }
0x13b: {  	v0 =	vld [tilespmem:s0+$0x164E0]  }
0x13c: {  	v62 =	vld [tilespmem:s1+$0x165E0];
	_ =	sdelay $0x3  }
0x13d: {  	v0 =	vshll.u32 v0, $0x6  }
0x13e: {  	v0 =	vadd.s32 v62, v0  }
0x13f: {  	[tilespmem:$0x60] =	vst v0  }
0x140: {  	v0 =	vld [tilespmem:s0+$0x164F0]  }
0x141: {  	v63 =	vld [tilespmem:s1+$0x165F0];
	_ =	sdelay $0x3  }
0x142: {  	v0 =	vshll.u32 v0, $0x6  }
0x143: {  	s28 =	sshll.u32 s18, $0xE;
	v0 =	vadd.s32 v63, v0  }
0x144: {  	s0 =	sadd.s32 $0x16680, s28;
	[tilespmem:$0x70] =	vst v0  }
0x145: {  	[tilespmem:s0], [sflag:$0x7] =	stream.indirect.gather [spmem:s16], $0x80, s15, s17, $0x2000b8;
	[tilespmem:$0x1E680] =	vst v63  }
0x146: {  	_ =	swait.ge [sflag:s21], $0x4000  }
0x147: {  	[sflag:s21] =	ssyncset.done $0x0  }
0x148: {  	[sflag:s21] =	ssyncadd.s32 $0xFFFFC000  }
0x149: {  	p0 =	por p0, p4;
	s1 =	sadd.s32 s9, s23;
	_ =	strace $0x9000004D  }
0x14a: {  	s1 =	sshll.u32 @p0 s1, $0xB;
	_ =	strace @p0 $0x8000004E  }
0x14b: {  	s1 =	sand.u32 @p0 $0x1FFFF800, s1;
	s2 =	rddreg [dreg:$0x6]  }
0x14c: {  	s3 =	sadd.s32 @p0 $0x5, s18;
	s1 =	sadd.s32 @p0 s2, s1;
	s2 =	simm.s32 @p0 $0x0  }
0x14d: {  	[hbm4b:s1+s2] =	stream.linear.scatter @p0 [tilespmem:s0], [sflag:s3], $0x4000, $0x200038;
	[tilespmem:$0x1E680] =	vst v63  }
0x14e: {  	p1 =	por p3, p3;
	_ =	strace @p0 $0x9000004E  }
0x14f: {  	s0 =	sadd.s32 @!p1 $0x5, s10;
	_ =	strace @!p1 $0x8000004F  }
0x150: {  	s1 =	simm.s32 $0x1;
	p0 =	sne.s32 s24, $0x320;
	_ =	swait.ge @!p1 [sflag:s0], $0x4000  }
0x151: {  	s1 =	simm.s32 @!p0 $0x0;
	[sflag:s0] =	ssyncset.done @!p1 $0x0  }
0x152: {  	s1 =	sadd.s32 s1, s25;
	[sflag:s0] =	ssyncadd.s32 @!p1 $0xFFFFC000  }
0x153: {  	s29 =	sand.u32 $0x1, s1;
	_ =	strace @!p1 $0x9000004F  }
0x154: {  	s0 =	sadd.s32 $0x5, s29;
	_ =	strace $0x80000050  }
0x155: {  	_ =	swait.ge [sflag:s0], $0x4000  }
0x156: {  	s30 =	rddreg [dreg:$0xc]  }
0x157: {  	s31 =	rddreg [dreg:$0xa];
	s1 =	sadd.s32 $0x1, s30  }
0x158: {  	p0 =	sne.s32 s1, s31  }
.Ltmp2:
0x159: {  	_ = 	snop;
	(pc) =	sbr.rel @p0 .LBB2_1-.Ltmp2, $4  }
0x15a: {  	_ = 	snop  }
0x15b: {  	[sflag:s0] =	ssyncset.done $0x0  }
0x15c: {  	[sflag:s0] =	ssyncadd.s32 $0xFFFFC000  }
0x15d: {  	_ =	strace $0x90000050  }
0x15e: {  	_ =	sfence.sel $0x180000  }
0x15f: {  	[bflag:$0x0] =	sbarrier.arrive $0xFFFF  }
0x160: {  	_ =	strace $0x90000047  }
0x161: {  	s0 =	stileid.u32;
	[bflag:$0x2] =	sbarrier.arrive $0xFFFF  }
0x162: {  	p0 =	sne.s32 s0, $0x0;
	s0 =	rddreg [dreg:$0x5]  }
0x163: {  	s0 =	sadd.s32 @!p0 $0x100000, s0  }
0x164: {  	[sflag:s0] =	ssyncadd.tile.s32 @!p0 $0x1;
	_ =	shalt  }
.Lfunc_end2:
_tile_overlayer_lowered:
.L_overlay_start_2:
0x165: {  	(tag) =	ssettag $0x2  }
0x166: {  	s0 =	rddreg [dreg:$0x0];
	s2 =	stileid.u32  }
0x167: {  	s1 =	rddreg [dreg:$0x1];
	p0 =	sne.s32 s2, $0x0  }
0x168: {  	s3 =	rddreg [dreg:$0x2];
	[bflag:$0x3] =	sbarrier.arrive $0xFFFF;
	s2 =	simm.s32 @!p0 $0x1C01  }
0x169: {  	[timem:s3], [sflag:s2] =	dma.local @!p0 [hbm:s0], s1  }
0x16a: {  	s0 =	simm.s32 @!p0 $0x1  }
0x16b: {  	_ =	swait.ge @!p0 [sflag:s0], s1  }
0x16c: {  	s1 =	ssub.s32 @!p0 $0x0, s1;
	[sflag:s0] =	ssyncset.done @!p0 $0x0  }
0x16d: {  	[sflag:s0] =	ssyncadd.s32 @!p0 s1  }
0x16e: {  	[bflag:$0x3] =	sbarrier.arrive $0xFFFF  }
0x16f: {  	_ =	shalt  }

</sc_bundles>
